<compile_context>
chip_gen: v7x
topology: tpu7x:2x2x1
jax: 0.10.2.dev20260603
libtpu: 0.0.44.dev20260713+nightly
codegen_flags: <defaults>
</compile_context>

<pallas_src>
import functools

import jax
import jax.numpy as jnp
from jax import lax
from jax.experimental import pallas as pl
from jax.experimental.pallas import tpu as pltpu
from jax.experimental.pallas import tpu_sc as plsc

N = 10000
NP = 10240
D = 128
NCLS = 121
E = 320000
NC, NS = 2, 16
NW = NC * NS
CH = 128
TROWS = 80
EP = NW * TROWS * CH
ZR = NP // NS
T0 = 120
T1 = 40
assert T0 + T1 == 2 * TROWS
IDXROWS = (NS - 1) * (T0 + T1) + T0 + 3 * 56
RB = 56

_MESH = plsc.VectorSubcoreMesh(core_axis_name="c", subcore_axis_name="s")



def _sc_degree(dstm, ones128, zeros128):

    @functools.partial(
        pl.kernel,
        out_type=jax.ShapeDtypeStruct((NC, NP, D), jnp.float32),
        mesh=_MESH,
        scratch_types=[
            pltpu.VMEM((TROWS, CH), jnp.int32),
            pltpu.VMEM((CH, D), jnp.float32),
            pltpu.VMEM_SHARED((NP, D), jnp.float32),
        ],
    )
    def k(dst_hbm, ones_hbm, z_hbm, out_hbm, dst_v, ones_v, acc):
        c = lax.axis_index("c")
        s = lax.axis_index("s")
        wid = s * NC + c
        pltpu.sync_copy(z_hbm.at[pl.ds(s * ZR, ZR)], acc.at[pl.ds(s * ZR, ZR)])
        pltpu.sync_copy(ones_hbm, ones_v)
        pltpu.sync_copy(dst_hbm.at[pl.ds(wid * TROWS, TROWS)], dst_v)
        plsc.subcore_barrier()

        @pl.loop(0, TROWS)
        def _(j):
            pltpu.sync_copy(ones_v, acc.at[dst_v.at[j]], add=True)

        plsc.subcore_barrier()
        pltpu.sync_copy(acc.at[pl.ds(s * ZR, ZR)],
                        out_hbm.at[c, pl.ds(s * ZR, ZR)])

    return k(dstm, ones128, zeros128)


def _sc_aggregate(g, srcm, dstm, zeros128):

    @functools.partial(
        pl.kernel,
        out_type=jax.ShapeDtypeStruct((NC, NP, D), jnp.float32),
        mesh=_MESH,
        scratch_types=[
            pltpu.VMEM((RB, CH), jnp.int32),
            pltpu.VMEM((RB, CH), jnp.int32),
            pltpu.VMEM((CH, D), jnp.float32),
            pltpu.VMEM((CH, D), jnp.float32),
            pltpu.VMEM_SHARED((NP, D), jnp.float32),
            pltpu.SemaphoreType.DMA,
            pltpu.SemaphoreType.DMA,
        ],
    )
    def k(g_hbm, src_hbm, dst_hbm, z_hbm, out_hbm,
          src_v, dst_v, rows_a, rows_b, acc, sem_g, sem_s):
        c = lax.axis_index("c")
        s = lax.axis_index("s")
        base = s * (T0 + T1) + c * T0
        pltpu.sync_copy(z_hbm.at[pl.ds(s * ZR, ZR)], acc.at[pl.ds(s * ZR, ZR)])
        plsc.subcore_barrier()

        @pl.loop(0, 3)
        def _(r):
            pltpu.sync_copy(src_hbm.at[pl.ds(base + r * RB, RB)], src_v)
            pltpu.sync_copy(dst_hbm.at[pl.ds(base + r * RB, RB)], dst_v)
            npairs = jnp.minimum(RB // 2,
                                 jnp.maximum(0, (60 - 40 * c) - (RB // 2) * r))

            @pl.loop(0, npairs)
            def _(jp):
                j = jp * 2
                pltpu.async_copy(g_hbm.at[src_v.at[j]], rows_a, sem_g).wait()
                hs = pltpu.async_copy(rows_a, acc.at[dst_v.at[j]], sem_s,
                                      add=True)
                pltpu.async_copy(g_hbm.at[src_v.at[j + 1]],
                                 rows_b, sem_g).wait()
                hs.wait()
                pltpu.sync_copy(rows_b, acc.at[dst_v.at[j + 1]], add=True)

        plsc.subcore_barrier()
        pltpu.sync_copy(acc.at[pl.ds(s * ZR, ZR)],
                        out_hbm.at[c, pl.ds(s * ZR, ZR)])

    return k(g, srcm, dstm, zeros128)



_B = 1024


def _tc_head(degp, xp, W0):

    def body(degp_ref, x_ref, w_ref, g_ref, dinv_ref):
        i = pl.program_id(0)
        d = degp_ref[0] + degp_ref[1]
        deg = d[:, 0:1] + 1.0
        rows = i * _B + lax.broadcasted_iota(jnp.int32, (_B, 1), 0)
        dinv = jnp.where(rows < N, lax.rsqrt(deg), 0.0)
        dinv_b = jnp.broadcast_to(dinv, (_B, D))
        dinv_ref[...] = dinv_b
        g_ref[...] = dinv_b * jnp.dot(x_ref[...], w_ref[...],
                                      preferred_element_type=jnp.float32)

    return pl.pallas_call(
        body,
        grid=(NP // _B,),
        in_specs=[pl.BlockSpec((2, _B, D), lambda i: (0, i, 0)),
                  pl.BlockSpec((_B, D), lambda i: (i, 0)),
                  pl.BlockSpec((D, D), lambda i: (0, 0))],
        out_specs=[pl.BlockSpec((_B, D), lambda i: (i, 0)),
                   pl.BlockSpec((_B, D), lambda i: (i, 0))],
        out_shape=[jax.ShapeDtypeStruct((NP, D), jnp.float32),
                   jax.ShapeDtypeStruct((NP, D), jnp.float32)],
    )(degp, xp, W0)


def _tc_mid(p, g, dinv_b, W, b):

    def body(p_ref, g_ref, dinv_ref, w_ref, b_ref, o_ref):
        ssum = p_ref[0] + p_ref[1] + g_ref[...]
        h = jnp.maximum(dinv_ref[...] * ssum + b_ref[...], 0.0)
        o_ref[...] = dinv_ref[...] * jnp.dot(h, w_ref[...],
                                             preferred_element_type=jnp.float32)

    return pl.pallas_call(
        body,
        grid=(NP // _B,),
        in_specs=[pl.BlockSpec((2, _B, D), lambda i: (0, i, 0)),
                  pl.BlockSpec((_B, D), lambda i: (i, 0)),
                  pl.BlockSpec((_B, D), lambda i: (i, 0)),
                  pl.BlockSpec((D, D), lambda i: (0, 0)),
                  pl.BlockSpec((1, D), lambda i: (0, 0))],
        out_specs=pl.BlockSpec((_B, D), lambda i: (i, 0)),
        out_shape=jax.ShapeDtypeStruct((NP, D), jnp.float32),
    )(p, g, dinv_b, W, b)


def _tc_pre_last(p, g, dinv_b, b):

    def body(p_ref, g_ref, dinv_ref, b_ref, o_ref):
        ssum = p_ref[0] + p_ref[1] + g_ref[...]
        h = jnp.maximum(dinv_ref[...] * ssum + b_ref[...], 0.0)
        o_ref[...] = dinv_ref[...] * h

    return pl.pallas_call(
        body,
        grid=(NP // _B,),
        in_specs=[pl.BlockSpec((2, _B, D), lambda i: (0, i, 0)),
                  pl.BlockSpec((_B, D), lambda i: (i, 0)),
                  pl.BlockSpec((_B, D), lambda i: (i, 0)),
                  pl.BlockSpec((1, D), lambda i: (0, 0))],
        out_specs=pl.BlockSpec((_B, D), lambda i: (i, 0)),
        out_shape=jax.ShapeDtypeStruct((NP, D), jnp.float32),
    )(p, g, dinv_b, b)


def _tc_tail(p, q, dinv_b, W2, b2):

    def body(p_ref, q_ref, dinv_ref, w_ref, b_ref, o_ref):
        t = dinv_ref[...] * (p_ref[0] + p_ref[1] + q_ref[...])
        o_ref[...] = jnp.dot(t, w_ref[...],
                             preferred_element_type=jnp.float32) + b_ref[...]

    return pl.pallas_call(
        body,
        grid=(NP // _B,),
        in_specs=[pl.BlockSpec((2, _B, D), lambda i: (0, i, 0)),
                  pl.BlockSpec((_B, D), lambda i: (i, 0)),
                  pl.BlockSpec((_B, D), lambda i: (i, 0)),
                  pl.BlockSpec((D, NCLS), lambda i: (0, 0)),
                  pl.BlockSpec((1, NCLS), lambda i: (0, 0))],
        out_specs=pl.BlockSpec((_B, NCLS), lambda i: (i, 0)),
        out_shape=jax.ShapeDtypeStruct((NP, NCLS), jnp.float32),
    )(p, q, dinv_b, W2, b2)



def kernel(x, edge_index, W0, b0, W1, b1, W2, b2):
    src = edge_index[0].astype(jnp.int32)
    dst = edge_index[1].astype(jnp.int32)
    npad = IDXROWS * CH - E
    pad_src = jnp.full((npad,), NP - 1, jnp.int32)
    pad_dst = N + jnp.arange(npad, dtype=jnp.int32) % (NP - N)
    srcm = jnp.concatenate([src, pad_src]).reshape(IDXROWS, CH)
    dstm = jnp.concatenate([dst, pad_dst]).reshape(IDXROWS, CH)

    xp = jnp.pad(x, ((0, NP - N), (0, 0)))
    zeros128 = jnp.zeros((NP, D), jnp.float32)
    ones128 = jnp.ones((CH, D), jnp.float32)
    b0r = b0.reshape(1, D)
    b1r = b1.reshape(1, D)
    b2r = b2.reshape(1, NCLS)

    degp = _sc_degree(dstm, ones128, zeros128)
    g1, dinv_b = _tc_head(degp, xp, W0)
    p1 = _sc_aggregate(g1, srcm, dstm, zeros128)
    g2 = _tc_mid(p1, g1, dinv_b, W1, b0r)
    p2 = _sc_aggregate(g2, srcm, dstm, zeros128)
    q = _tc_pre_last(p2, g2, dinv_b, b1r)
    p3 = _sc_aggregate(q, srcm, dstm, zeros128)
    out = _tc_tail(p3, q, dinv_b, W2, b2r)
    return out[:N]

# --- scband reference (transcript-rebuilt; emitter-appended) ---
"""Pipeline reference for scband-net-70720931496759 (READ-ONLY COPY).

The authoritative reference and input builder live on the scoring server;
editing this copy changes nothing except your own understanding.
"""

import jax, jax.numpy as jnp
import numpy as np

N_NODES = 10000
N_EDGES = 320000
D_FEAT = 128
HIDDEN = 128
N_CLASSES = 121


def gcn_conv(x, edge_index, W, b, n):
    src = edge_index[0]
    dst = edge_index[1]
    loop = jnp.arange(n, dtype=src.dtype)
    src = jnp.concatenate([src, loop])
    dst = jnp.concatenate([dst, loop])
    deg = jax.ops.segment_sum(jnp.ones(src.shape[0], dtype=x.dtype), dst, num_segments=n)
    dinv = jnp.where(deg > 0, 1.0 / jnp.sqrt(deg), 0.0)
    norm = dinv[src] * dinv[dst]
    h = x @ W
    msg = jnp.take(h, src, axis=0) * norm[:, None]
    out = jax.ops.segment_sum(msg, dst, num_segments=n)
    return out + b


def setup_inputs(seed: int = 0) -> dict:
    key = jax.random.key(seed)
    ks = jax.random.split(key, 8)
    x = jax.random.normal(ks[0], (N_NODES, D_FEAT), dtype=jnp.float32)
    edge_index = jax.random.randint(ks[1], (2, N_EDGES), 0, N_NODES, dtype=jnp.int64)
    s0 = 1.0 / np.sqrt(D_FEAT)
    s1 = 1.0 / np.sqrt(HIDDEN)
    W0 = jax.random.uniform(ks[2], (D_FEAT, HIDDEN), jnp.float32, -s0, s0)
    b0 = jnp.zeros((HIDDEN,), dtype=jnp.float32)
    W1 = jax.random.uniform(ks[3], (HIDDEN, HIDDEN), jnp.float32, -s1, s1)
    b1 = jnp.zeros((HIDDEN,), dtype=jnp.float32)
    W2 = jax.random.uniform(ks[4], (HIDDEN, N_CLASSES), jnp.float32, -s1, s1)
    b2 = jnp.zeros((N_CLASSES,), dtype=jnp.float32)
    return {"x": x, "edge_index": edge_index, "W0": W0, "b0": b0, "W1": W1, "b1": b1, "W2": W2, "b2": b2}


def reference(x, edge_index, W0, b0, W1, b1, W2, b2):
    n = x.shape[0]
    # layer 1
    x1 = gcn_conv(x, edge_index, W0, b0, n)
    h = jax.nn.relu(x1)
    # dropout is identity in eval mode
    # layer 2
    x1 = gcn_conv(h, edge_index, W1, b1, n)
    h = jax.nn.relu(x1)
    # layer 3 (returns pre-activation of last conv, as in original forward)
    x1 = gcn_conv(h, edge_index, W2, b2, n)
    return x1

if __name__ == "__main__":
    import jax
    _d = setup_inputs()
    print(jax.jit(kernel)(*tuple(_d.values())))

</pallas_src>

<mosaic_0001>
#map = affine_map<(d0, d1) -> (0, 0)>
#map1 = affine_map<(d0, d1) -> (0, 0, 0)>
module attributes {stable_mosaic.version = 14 : i64} {
  func.func @k(%arg0: i32, %arg1: i32, %arg2: memref<2688x128xi32, #tpu.memory_space<hbm>>, %arg3: memref<128x128xf32, #tpu.memory_space<hbm>>, %arg4: memref<10240x128xf32, #tpu.memory_space<hbm>>, %arg5: memref<2x10240x128xf32, #tpu.memory_space<hbm>>, %arg6: memref<80x128xi32, #tpu.memory_space<vmem>>, %arg7: memref<128x128xf32, #tpu.memory_space<vmem>>, %arg8: memref<10240x128xf32, #tpu.memory_space<vmem_shared>>) attributes {dimension_semantics = [#tpu.dimension_semantics<core_parallel>, #tpu.dimension_semantics<subcore_parallel>], iteration_bounds = array<i64: 2, 16>, scalar_prefetch = 0 : i64, scratch_operands = 3 : i64, tpu.core_type = #tpu.core_type<sc_vector_subcore>, window_params = [{transform_indices = #map}, {transform_indices = #map}, {transform_indices = #map}, {transform_indices = #map1}]} {
    %mul3A = arith.constant 2 : i32
    %mul3A_0 = arith.muli %arg1, %mul3A : i32
    %add3A = arith.addi %mul3A_0, %arg0 : i32
    %mul3A_1 = arith.constant 640 : i32
    %mul3A_2 = arith.muli %arg1, %mul3A_1 : i32
    %mul3A_3 = arith.constant 640 : i32
    %mul3A_4 = arith.muli %arg1, %mul3A_3 : i32
    "tpu.region"() ({
      %run_scoped3A = tpu.sem_alloc : memref<!tpu.dma_semaphore, #tpu.memory_space<semaphore_mem>>
      %dma_start3A = arith.constant 0 : i32
      %dma_start3A_16 = tpu.memref_slice %arg8[%mul3A_4, %dma_start3A] : memref<10240x128xf32, #tpu.memory_space<vmem_shared>> -> memref<640x128xf32, #tpu.memory_space<vmem_shared>>
      %dma_start3A_17 = arith.constant 0 : i32
      %dma_start3A_18 = tpu.memref_slice %arg4[%mul3A_2, %dma_start3A_17] : memref<10240x128xf32, #tpu.memory_space<hbm>> -> memref<640x128xf32, #tpu.memory_space<hbm>>
      tpu.enqueue_dma source(%dma_start3A_18 : memref<640x128xf32, #tpu.memory_space<hbm>>) target(%dma_start3A_16 : memref<640x128xf32, #tpu.memory_space<vmem_shared>>) target_semaphore(%run_scoped3A : memref<!tpu.dma_semaphore, #tpu.memory_space<semaphore_mem>>)
      %dma_wait3A = arith.constant 0 : i32
      %dma_wait3A_19 = tpu.memref_slice %arg8[%mul3A_4, %dma_wait3A] : memref<10240x128xf32, #tpu.memory_space<vmem_shared>> -> memref<640x128xf32, #tpu.memory_space<vmem_shared>>
      %dma_wait3A_20 = arith.constant 0 : i32
      %dma_wait3A_21 = tpu.memref_slice %arg4[%mul3A_2, %dma_wait3A_20] : memref<10240x128xf32, #tpu.memory_space<hbm>> -> memref<640x128xf32, #tpu.memory_space<hbm>>
      tpu.wait_dma2 semaphore(%run_scoped3A : memref<!tpu.dma_semaphore, #tpu.memory_space<semaphore_mem>>) src(%dma_wait3A_21 : memref<640x128xf32, #tpu.memory_space<hbm>>) dst(%dma_wait3A_19 : memref<640x128xf32, #tpu.memory_space<vmem_shared>>)
      tpu.yield
    }) : () -> ()
    "tpu.region"() ({
      %run_scoped3A = tpu.sem_alloc : memref<!tpu.dma_semaphore, #tpu.memory_space<semaphore_mem>>
      tpu.enqueue_dma source(%arg3 : memref<128x128xf32, #tpu.memory_space<hbm>>) target(%arg7 : memref<128x128xf32, #tpu.memory_space<vmem>>) target_semaphore(%run_scoped3A : memref<!tpu.dma_semaphore, #tpu.memory_space<semaphore_mem>>)
      tpu.wait_dma2 semaphore(%run_scoped3A : memref<!tpu.dma_semaphore, #tpu.memory_space<semaphore_mem>>) src(%arg3 : memref<128x128xf32, #tpu.memory_space<hbm>>) dst(%arg7 : memref<128x128xf32, #tpu.memory_space<vmem>>)
      tpu.yield
    }) : () -> ()
    %mul3A_5 = arith.constant 80 : i32
    %mul3A_6 = arith.muli %add3A, %mul3A_5 : i32
    "tpu.region"() ({
      %run_scoped3A = tpu.sem_alloc : memref<!tpu.dma_semaphore, #tpu.memory_space<semaphore_mem>>
      %dma_start3A = arith.constant 0 : i32
      %dma_start3A_16 = tpu.memref_slice %arg2[%mul3A_6, %dma_start3A] : memref<2688x128xi32, #tpu.memory_space<hbm>> -> memref<80x128xi32, #tpu.memory_space<hbm>>
      %dma_start3A_17 = arith.constant 0 : i32
      %dma_start3A_18 = tpu.memref_slice %arg2[%mul3A_6, %dma_start3A_17] : memref<2688x128xi32, #tpu.memory_space<hbm>> -> memref<80x128xi32, #tpu.memory_space<hbm>>
      tpu.enqueue_dma source(%dma_start3A_18 : memref<80x128xi32, #tpu.memory_space<hbm>>) target(%arg6 : memref<80x128xi32, #tpu.memory_space<vmem>>) target_semaphore(%run_scoped3A : memref<!tpu.dma_semaphore, #tpu.memory_space<semaphore_mem>>)
      %dma_wait3A = arith.constant 0 : i32
      %dma_wait3A_19 = tpu.memref_slice %arg2[%mul3A_6, %dma_wait3A] : memref<2688x128xi32, #tpu.memory_space<hbm>> -> memref<80x128xi32, #tpu.memory_space<hbm>>
      %dma_wait3A_20 = arith.constant 0 : i32
      %dma_wait3A_21 = tpu.memref_slice %arg2[%mul3A_6, %dma_wait3A_20] : memref<2688x128xi32, #tpu.memory_space<hbm>> -> memref<80x128xi32, #tpu.memory_space<hbm>>
      tpu.wait_dma2 semaphore(%run_scoped3A : memref<!tpu.dma_semaphore, #tpu.memory_space<semaphore_mem>>) src(%dma_wait3A_21 : memref<80x128xi32, #tpu.memory_space<hbm>>) dst(%arg6 : memref<80x128xi32, #tpu.memory_space<vmem>>)
      tpu.yield
    }) : () -> ()
    %barrier3A = arith.constant 0 : index
    tpu.barrier barrier_id(%barrier3A)
    %scan3A = arith.constant 0 : i32
    %scan3A_7 = arith.constant 80 : i32
    %scan3A_8 = arith.addi %scan3A, %scan3A_7 : i32
    %scan3A_9 = arith.constant 1 : i32
    scf.for %scan3A_16 = %scan3A to %scan3A_8 step %scan3A_9  : i32 {
      %mul3A_17 = arith.constant 1 : i32
      %mul3A_18 = arith.muli %scan3A_16, %mul3A_17 : i32
      %add3A_19 = arith.constant 0 : i32
      %add3A_20 = arith.addi %add3A_19, %mul3A_18 : i32
      "tpu.region"() ({
        %run_scoped3A = tpu.sem_alloc : memref<!tpu.dma_semaphore, #tpu.memory_space<semaphore_mem>>
        %dma_start3A = arith.constant 0 : i32
        %dma_start3A_21 = tpu.memref_slice %arg6[%add3A_20, %dma_start3A] : memref<80x128xi32, #tpu.memory_space<vmem>> -> memref<1x128xi32, #tpu.memory_space<vmem>>
        %dma_start3A_22 = tpu.memref_squeeze %dma_start3A_21 : memref<1x128xi32, #tpu.memory_space<vmem>> -> memref<128xi32, #tpu.memory_space<vmem>>
        %dma_start3A_23 = arith.constant 0 : i32
        %dma_start3A_24 = arith.constant 0 : i32
        %dma_start3A_25 = tpu.memref_slice %arg8[%dma_start3A_23, %dma_start3A_24] : memref<10240x128xf32, #tpu.memory_space<vmem_shared>> -> memref<10240x128xf32, #tpu.memory_space<vmem_shared>>
        tpu.enqueue_indirect_dma source(%arg7 : memref<128x128xf32, #tpu.memory_space<vmem>>) target(%dma_start3A_25 : memref<10240x128xf32, #tpu.memory_space<vmem_shared>>) offsets(%dma_start3A_22 : memref<128xi32, #tpu.memory_space<vmem>>) semaphore(%run_scoped3A : memref<!tpu.dma_semaphore, #tpu.memory_space<semaphore_mem>>) {add = true}
        %dma_wait3A = arith.constant 0 : i32
        %dma_wait3A_26 = tpu.memref_slice %arg6[%add3A_20, %dma_wait3A] : memref<80x128xi32, #tpu.memory_space<vmem>> -> memref<1x128xi32, #tpu.memory_space<vmem>>
        %dma_wait3A_27 = tpu.memref_squeeze %dma_wait3A_26 : memref<1x128xi32, #tpu.memory_space<vmem>> -> memref<128xi32, #tpu.memory_space<vmem>>
        %dma_wait3A_28 = arith.constant 0 : i32
        %dma_wait3A_29 = arith.constant 0 : i32
        %dma_wait3A_30 = tpu.memref_slice %arg8[%dma_wait3A_28, %dma_wait3A_29] : memref<10240x128xf32, #tpu.memory_space<vmem_shared>> -> memref<10240x128xf32, #tpu.memory_space<vmem_shared>>
        tpu.wait_indirect_dma semaphore(%run_scoped3A : memref<!tpu.dma_semaphore, #tpu.memory_space<semaphore_mem>>) src(%arg7 : memref<128x128xf32, #tpu.memory_space<vmem>>) dst(%dma_wait3A_30 : memref<10240x128xf32, #tpu.memory_space<vmem_shared>>)
        tpu.yield
      }) : () -> ()
    }
    %scan3A_10 = arith.constant 80 : i32
    %barrier3A_11 = arith.constant 0 : index
    tpu.barrier barrier_id(%barrier3A_11)
    %mul3A_12 = arith.constant 640 : i32
    %mul3A_13 = arith.muli %arg1, %mul3A_12 : i32
    %mul3A_14 = arith.constant 640 : i32
    %mul3A_15 = arith.muli %arg1, %mul3A_14 : i32
    "tpu.region"() ({
      %run_scoped3A = tpu.sem_alloc : memref<!tpu.dma_semaphore, #tpu.memory_space<semaphore_mem>>
      %dma_start3A = arith.constant 0 : i32
      %dma_start3A_16 = tpu.memref_slice %arg5[%arg0, %mul3A_15, %dma_start3A] : memref<2x10240x128xf32, #tpu.memory_space<hbm>> -> memref<1x640x128xf32, #tpu.memory_space<hbm>>
      %dma_start3A_17 = tpu.memref_squeeze %dma_start3A_16 : memref<1x640x128xf32, #tpu.memory_space<hbm>> -> memref<640x128xf32, #tpu.memory_space<hbm>>
      %dma_start3A_18 = arith.constant 0 : i32
      %dma_start3A_19 = tpu.memref_slice %arg8[%mul3A_13, %dma_start3A_18] : memref<10240x128xf32, #tpu.memory_space<vmem_shared>> -> memref<640x128xf32, #tpu.memory_space<vmem_shared>>
      tpu.enqueue_dma source(%dma_start3A_19 : memref<640x128xf32, #tpu.memory_space<vmem_shared>>) target(%dma_start3A_17 : memref<640x128xf32, #tpu.memory_space<hbm>>) target_semaphore(%run_scoped3A : memref<!tpu.dma_semaphore, #tpu.memory_space<semaphore_mem>>)
      %dma_wait3A = arith.constant 0 : i32
      %dma_wait3A_20 = tpu.memref_slice %arg5[%arg0, %mul3A_15, %dma_wait3A] : memref<2x10240x128xf32, #tpu.memory_space<hbm>> -> memref<1x640x128xf32, #tpu.memory_space<hbm>>
      %dma_wait3A_21 = tpu.memref_squeeze %dma_wait3A_20 : memref<1x640x128xf32, #tpu.memory_space<hbm>> -> memref<640x128xf32, #tpu.memory_space<hbm>>
      %dma_wait3A_22 = arith.constant 0 : i32
      %dma_wait3A_23 = tpu.memref_slice %arg8[%mul3A_13, %dma_wait3A_22] : memref<10240x128xf32, #tpu.memory_space<vmem_shared>> -> memref<640x128xf32, #tpu.memory_space<vmem_shared>>
      tpu.wait_dma2 semaphore(%run_scoped3A : memref<!tpu.dma_semaphore, #tpu.memory_space<semaphore_mem>>) src(%dma_wait3A_23 : memref<640x128xf32, #tpu.memory_space<vmem_shared>>) dst(%dma_wait3A_21 : memref<640x128xf32, #tpu.memory_space<hbm>>)
      tpu.yield
    }) : () -> ()
    return
  }
}

#map = affine_map<(d0, d1) -> (0, 0)>
#map1 = affine_map<(d0, d1) -> (0, 0, 0)>
module attributes {stable_mosaic.version = 14 : i64} {
  func.func @k(%arg0: i32, %arg1: i32, %arg2: memref<10240x128xf32, #tpu.memory_space<hbm>>, %arg3: memref<2688x128xi32, #tpu.memory_space<hbm>>, %arg4: memref<2688x128xi32, #tpu.memory_space<hbm>>, %arg5: memref<10240x128xf32, #tpu.memory_space<hbm>>, %arg6: memref<2x10240x128xf32, #tpu.memory_space<hbm>>, %arg7: memref<56x128xi32, #tpu.memory_space<vmem>>, %arg8: memref<56x128xi32, #tpu.memory_space<vmem>>, %arg9: memref<128x128xf32, #tpu.memory_space<vmem>>, %arg10: memref<128x128xf32, #tpu.memory_space<vmem>>, %arg11: memref<10240x128xf32, #tpu.memory_space<vmem_shared>>, %arg12: memref<!tpu.dma_semaphore, #tpu.memory_space<semaphore_mem>>, %arg13: memref<!tpu.dma_semaphore, #tpu.memory_space<semaphore_mem>>) attributes {dimension_semantics = [#tpu.dimension_semantics<core_parallel>, #tpu.dimension_semantics<subcore_parallel>], iteration_bounds = array<i64: 2, 16>, scalar_prefetch = 0 : i64, scratch_operands = 7 : i64, tpu.core_type = #tpu.core_type<sc_vector_subcore>, window_params = [{transform_indices = #map}, {transform_indices = #map}, {transform_indices = #map}, {transform_indices = #map}, {transform_indices = #map1}]} {
    %mul3A = arith.constant 160 : i32
    %mul3A_0 = arith.muli %arg1, %mul3A : i32
    %mul3A_1 = arith.constant 120 : i32
    %mul3A_2 = arith.muli %arg0, %mul3A_1 : i32
    %add3A = arith.addi %mul3A_0, %mul3A_2 : i32
    %mul3A_3 = arith.constant 640 : i32
    %mul3A_4 = arith.muli %arg1, %mul3A_3 : i32
    %mul3A_5 = arith.constant 640 : i32
    %mul3A_6 = arith.muli %arg1, %mul3A_5 : i32
    "tpu.region"() ({
      %run_scoped3A = tpu.sem_alloc : memref<!tpu.dma_semaphore, #tpu.memory_space<semaphore_mem>>
      %dma_start3A = arith.constant 0 : i32
      %dma_start3A_16 = tpu.memref_slice %arg11[%mul3A_6, %dma_start3A] : memref<10240x128xf32, #tpu.memory_space<vmem_shared>> -> memref<640x128xf32, #tpu.memory_space<vmem_shared>>
      %dma_start3A_17 = arith.constant 0 : i32
      %dma_start3A_18 = tpu.memref_slice %arg5[%mul3A_4, %dma_start3A_17] : memref<10240x128xf32, #tpu.memory_space<hbm>> -> memref<640x128xf32, #tpu.memory_space<hbm>>
      tpu.enqueue_dma source(%dma_start3A_18 : memref<640x128xf32, #tpu.memory_space<hbm>>) target(%dma_start3A_16 : memref<640x128xf32, #tpu.memory_space<vmem_shared>>) target_semaphore(%run_scoped3A : memref<!tpu.dma_semaphore, #tpu.memory_space<semaphore_mem>>)
      %dma_wait3A = arith.constant 0 : i32
      %dma_wait3A_19 = tpu.memref_slice %arg11[%mul3A_6, %dma_wait3A] : memref<10240x128xf32, #tpu.memory_space<vmem_shared>> -> memref<640x128xf32, #tpu.memory_space<vmem_shared>>
      %dma_wait3A_20 = arith.constant 0 : i32
      %dma_wait3A_21 = tpu.memref_slice %arg5[%mul3A_4, %dma_wait3A_20] : memref<10240x128xf32, #tpu.memory_space<hbm>> -> memref<640x128xf32, #tpu.memory_space<hbm>>
      tpu.wait_dma2 semaphore(%run_scoped3A : memref<!tpu.dma_semaphore, #tpu.memory_space<semaphore_mem>>) src(%dma_wait3A_21 : memref<640x128xf32, #tpu.memory_space<hbm>>) dst(%dma_wait3A_19 : memref<640x128xf32, #tpu.memory_space<vmem_shared>>)
      tpu.yield
    }) : () -> ()
    %barrier3A = arith.constant 0 : index
    tpu.barrier barrier_id(%barrier3A)
    %scan3A = arith.constant 0 : i32
    %scan3A_7 = arith.constant 3 : i32
    %scan3A_8 = arith.addi %scan3A, %scan3A_7 : i32
    %scan3A_9 = arith.constant 1 : i32
    scf.for %scan3A_16 = %scan3A to %scan3A_8 step %scan3A_9  : i32 {
      %mul3A_17 = arith.constant 1 : i32
      %mul3A_18 = arith.muli %scan3A_16, %mul3A_17 : i32
      %add3A_19 = arith.constant 0 : i32
      %add3A_20 = arith.addi %add3A_19, %mul3A_18 : i32
      %mul3A_21 = arith.constant 56 : i32
      %mul3A_22 = arith.muli %add3A_20, %mul3A_21 : i32
      %add3A_23 = arith.addi %add3A, %mul3A_22 : i32
      "tpu.region"() ({
        %run_scoped3A = tpu.sem_alloc : memref<!tpu.dma_semaphore, #tpu.memory_space<semaphore_mem>>
        %dma_start3A = arith.constant 0 : i32
        %dma_start3A_52 = tpu.memref_slice %arg3[%add3A_23, %dma_start3A] : memref<2688x128xi32, #tpu.memory_space<hbm>> -> memref<56x128xi32, #tpu.memory_space<hbm>>
        %dma_start3A_53 = arith.constant 0 : i32
        %dma_start3A_54 = tpu.memref_slice %arg3[%add3A_23, %dma_start3A_53] : memref<2688x128xi32, #tpu.memory_space<hbm>> -> memref<56x128xi32, #tpu.memory_space<hbm>>
        tpu.enqueue_dma source(%dma_start3A_54 : memref<56x128xi32, #tpu.memory_space<hbm>>) target(%arg7 : memref<56x128xi32, #tpu.memory_space<vmem>>) target_semaphore(%run_scoped3A : memref<!tpu.dma_semaphore, #tpu.memory_space<semaphore_mem>>)
        %dma_wait3A = arith.constant 0 : i32
        %dma_wait3A_55 = tpu.memref_slice %arg3[%add3A_23, %dma_wait3A] : memref<2688x128xi32, #tpu.memory_space<hbm>> -> memref<56x128xi32, #tpu.memory_space<hbm>>
        %dma_wait3A_56 = arith.constant 0 : i32
        %dma_wait3A_57 = tpu.memref_slice %arg3[%add3A_23, %dma_wait3A_56] : memref<2688x128xi32, #tpu.memory_space<hbm>> -> memref<56x128xi32, #tpu.memory_space<hbm>>
        tpu.wait_dma2 semaphore(%run_scoped3A : memref<!tpu.dma_semaphore, #tpu.memory_space<semaphore_mem>>) src(%dma_wait3A_57 : memref<56x128xi32, #tpu.memory_space<hbm>>) dst(%arg7 : memref<56x128xi32, #tpu.memory_space<vmem>>)
        tpu.yield
      }) : () -> ()
      %mul3A_24 = arith.constant 56 : i32
      %mul3A_25 = arith.muli %add3A_20, %mul3A_24 : i32
      %add3A_26 = arith.addi %add3A, %mul3A_25 : i32
      "tpu.region"() ({
        %run_scoped3A = tpu.sem_alloc : memref<!tpu.dma_semaphore, #tpu.memory_space<semaphore_mem>>
        %dma_start3A = arith.constant 0 : i32
        %dma_start3A_52 = tpu.memref_slice %arg4[%add3A_26, %dma_start3A] : memref<2688x128xi32, #tpu.memory_space<hbm>> -> memref<56x128xi32, #tpu.memory_space<hbm>>
        %dma_start3A_53 = arith.constant 0 : i32
        %dma_start3A_54 = tpu.memref_slice %arg4[%add3A_26, %dma_start3A_53] : memref<2688x128xi32, #tpu.memory_space<hbm>> -> memref<56x128xi32, #tpu.memory_space<hbm>>
        tpu.enqueue_dma source(%dma_start3A_54 : memref<56x128xi32, #tpu.memory_space<hbm>>) target(%arg8 : memref<56x128xi32, #tpu.memory_space<vmem>>) target_semaphore(%run_scoped3A : memref<!tpu.dma_semaphore, #tpu.memory_space<semaphore_mem>>)
        %dma_wait3A = arith.constant 0 : i32
        %dma_wait3A_55 = tpu.memref_slice %arg4[%add3A_26, %dma_wait3A] : memref<2688x128xi32, #tpu.memory_space<hbm>> -> memref<56x128xi32, #tpu.memory_space<hbm>>
        %dma_wait3A_56 = arith.constant 0 : i32
        %dma_wait3A_57 = tpu.memref_slice %arg4[%add3A_26, %dma_wait3A_56] : memref<2688x128xi32, #tpu.memory_space<hbm>> -> memref<56x128xi32, #tpu.memory_space<hbm>>
        tpu.wait_dma2 semaphore(%run_scoped3A : memref<!tpu.dma_semaphore, #tpu.memory_space<semaphore_mem>>) src(%dma_wait3A_57 : memref<56x128xi32, #tpu.memory_space<hbm>>) dst(%arg8 : memref<56x128xi32, #tpu.memory_space<vmem>>)
        tpu.yield
      }) : () -> ()
      %mul3A_27 = arith.constant 40 : i32
      %mul3A_28 = arith.muli %mul3A_27, %arg0 : i32
      %sub3A = arith.constant 60 : i32
      %sub3A_29 = arith.subi %sub3A, %mul3A_28 : i32
      %mul3A_30 = arith.constant 28 : i32
      %mul3A_31 = arith.muli %mul3A_30, %add3A_20 : i32
      %sub3A_32 = arith.subi %sub3A_29, %mul3A_31 : i32
      %max3A = arith.constant 0 : i32
      %max3A_33 = arith.maxsi %max3A, %sub3A_32 : i32
      %min3A = arith.constant 28 : i32
      %min3A_34 = arith.minsi %min3A, %max3A_33 : i32
      %sub3A_35 = arith.constant 0 : i32
      %sub3A_36 = arith.subi %min3A_34, %sub3A_35 : i32
      %sub3A_37 = arith.constant 1 : i32
      %sub3A_38 = arith.constant 1 : i32
      %sub3A_39 = arith.subi %sub3A_37, %sub3A_38 : i32
      %add3A_40 = arith.addi %sub3A_36, %sub3A_39 : i32
      %div3A = arith.constant 1 : i32
      %div3A_41 = arith.divsi %add3A_40, %div3A : i32
      %while3A = arith.constant 1 : i32
      %while3A_42 = arith.constant 0 : i32
      %while3A_43 = arith.constant 0 : i32
      %while3A_44 = arith.subi %div3A_41, %while3A_43 : i32
      %while3A_45 = arith.addi %while3A_43, %while3A_44 : i32
      %while3A_46 = arith.constant 1 : i32
      %while3A_47 = arith.divsi %while3A_44, %while3A_46 : i32
      %while3A_48 = arith.muli %while3A_47, %while3A_46 : i32
      %while3A_49 = arith.addi %while3A_43, %while3A_48 : i32
      %while3A_50 = arith.constant 1 : i32
      scf.for %while3A_52 = %while3A_43 to %while3A_49 step %while3A_50  : i32 {
        %mul3A_53 = arith.muli %while3A_52, %while3A : i32
        %add3A_54 = arith.addi %while3A_42, %mul3A_53 : i32
        %mul3A_55 = arith.constant 2 : i32
        %mul3A_56 = arith.muli %add3A_54, %mul3A_55 : i32
        %dma_start3A = arith.constant 0 : i32
        %dma_start3A_57 = tpu.memref_slice %arg7[%mul3A_56, %dma_start3A] : memref<56x128xi32, #tpu.memory_space<vmem>> -> memref<1x128xi32, #tpu.memory_space<vmem>>
        %dma_start3A_58 = tpu.memref_squeeze %dma_start3A_57 : memref<1x128xi32, #tpu.memory_space<vmem>> -> memref<128xi32, #tpu.memory_space<vmem>>
        %dma_start3A_59 = arith.constant 0 : i32
        %dma_start3A_60 = arith.constant 0 : i32
        %dma_start3A_61 = tpu.memref_slice %arg2[%dma_start3A_59, %dma_start3A_60] : memref<10240x128xf32, #tpu.memory_space<hbm>> -> memref<10240x128xf32, #tpu.memory_space<hbm>>
        tpu.enqueue_indirect_dma source(%dma_start3A_61 : memref<10240x128xf32, #tpu.memory_space<hbm>>) target(%arg9 : memref<128x128xf32, #tpu.memory_space<vmem>>) offsets(%dma_start3A_58 : memref<128xi32, #tpu.memory_space<vmem>>) semaphore(%arg12 : memref<!tpu.dma_semaphore, #tpu.memory_space<semaphore_mem>>)
        %dma_wait3A = arith.constant 0 : i32
        %dma_wait3A_62 = tpu.memref_slice %arg7[%mul3A_56, %dma_wait3A] : memref<56x128xi32, #tpu.memory_space<vmem>> -> memref<1x128xi32, #tpu.memory_space<vmem>>
        %dma_wait3A_63 = tpu.memref_squeeze %dma_wait3A_62 : memref<1x128xi32, #tpu.memory_space<vmem>> -> memref<128xi32, #tpu.memory_space<vmem>>
        %dma_wait3A_64 = arith.constant 0 : i32
        %dma_wait3A_65 = arith.constant 0 : i32
        %dma_wait3A_66 = tpu.memref_slice %arg2[%dma_wait3A_64, %dma_wait3A_65] : memref<10240x128xf32, #tpu.memory_space<hbm>> -> memref<10240x128xf32, #tpu.memory_space<hbm>>
        tpu.wait_indirect_dma semaphore(%arg12 : memref<!tpu.dma_semaphore, #tpu.memory_space<semaphore_mem>>) src(%dma_wait3A_66 : memref<10240x128xf32, #tpu.memory_space<hbm>>) dst(%arg9 : memref<128x128xf32, #tpu.memory_space<vmem>>)
        %dma_start3A_67 = arith.constant 0 : i32
        %dma_start3A_68 = tpu.memref_slice %arg8[%mul3A_56, %dma_start3A_67] : memref<56x128xi32, #tpu.memory_space<vmem>> -> memref<1x128xi32, #tpu.memory_space<vmem>>
        %dma_start3A_69 = tpu.memref_squeeze %dma_start3A_68 : memref<1x128xi32, #tpu.memory_space<vmem>> -> memref<128xi32, #tpu.memory_space<vmem>>
        %dma_start3A_70 = arith.constant 0 : i32
        %dma_start3A_71 = arith.constant 0 : i32
        %dma_start3A_72 = tpu.memref_slice %arg11[%dma_start3A_70, %dma_start3A_71] : memref<10240x128xf32, #tpu.memory_space<vmem_shared>> -> memref<10240x128xf32, #tpu.memory_space<vmem_shared>>
        tpu.enqueue_indirect_dma source(%arg9 : memref<128x128xf32, #tpu.memory_space<vmem>>) target(%dma_start3A_72 : memref<10240x128xf32, #tpu.memory_space<vmem_shared>>) offsets(%dma_start3A_69 : memref<128xi32, #tpu.memory_space<vmem>>) semaphore(%arg13 : memref<!tpu.dma_semaphore, #tpu.memory_space<semaphore_mem>>) {add = true}
        %add3A_73 = arith.constant 1 : i32
        %add3A_74 = arith.addi %mul3A_56, %add3A_73 : i32
        %dma_start3A_75 = arith.constant 0 : i32
        %dma_start3A_76 = tpu.memref_slice %arg7[%add3A_74, %dma_start3A_75] : memref<56x128xi32, #tpu.memory_space<vmem>> -> memref<1x128xi32, #tpu.memory_space<vmem>>
        %dma_start3A_77 = tpu.memref_squeeze %dma_start3A_76 : memref<1x128xi32, #tpu.memory_space<vmem>> -> memref<128xi32, #tpu.memory_space<vmem>>
        %dma_start3A_78 = arith.constant 0 : i32
        %dma_start3A_79 = arith.constant 0 : i32
        %dma_start3A_80 = tpu.memref_slice %arg2[%dma_start3A_78, %dma_start3A_79] : memref<10240x128xf32, #tpu.memory_space<hbm>> -> memref<10240x128xf32, #tpu.memory_space<hbm>>
        tpu.enqueue_indirect_dma source(%dma_start3A_80 : memref<10240x128xf32, #tpu.memory_space<hbm>>) target(%arg10 : memref<128x128xf32, #tpu.memory_space<vmem>>) offsets(%dma_start3A_77 : memref<128xi32, #tpu.memory_space<vmem>>) semaphore(%arg12 : memref<!tpu.dma_semaphore, #tpu.memory_space<semaphore_mem>>)
        %dma_wait3A_81 = arith.constant 0 : i32
        %dma_wait3A_82 = tpu.memref_slice %arg7[%add3A_74, %dma_wait3A_81] : memref<56x128xi32, #tpu.memory_space<vmem>> -> memref<1x128xi32, #tpu.memory_space<vmem>>
        %dma_wait3A_83 = tpu.memref_squeeze %dma_wait3A_82 : memref<1x128xi32, #tpu.memory_space<vmem>> -> memref<128xi32, #tpu.memory_space<vmem>>
        %dma_wait3A_84 = arith.constant 0 : i32
        %dma_wait3A_85 = arith.constant 0 : i32
        %dma_wait3A_86 = tpu.memref_slice %arg2[%dma_wait3A_84, %dma_wait3A_85] : memref<10240x128xf32, #tpu.memory_space<hbm>> -> memref<10240x128xf32, #tpu.memory_space<hbm>>
        tpu.wait_indirect_dma semaphore(%arg12 : memref<!tpu.dma_semaphore, #tpu.memory_space<semaphore_mem>>) src(%dma_wait3A_86 : memref<10240x128xf32, #tpu.memory_space<hbm>>) dst(%arg10 : memref<128x128xf32, #tpu.memory_space<vmem>>)
        %dma_wait3A_87 = arith.constant 0 : i32
        %dma_wait3A_88 = tpu.memref_slice %arg8[%mul3A_56, %dma_wait3A_87] : memref<56x128xi32, #tpu.memory_space<vmem>> -> memref<1x128xi32, #tpu.memory_space<vmem>>
        %dma_wait3A_89 = tpu.memref_squeeze %dma_wait3A_88 : memref<1x128xi32, #tpu.memory_space<vmem>> -> memref<128xi32, #tpu.memory_space<vmem>>
        %dma_wait3A_90 = arith.constant 0 : i32
        %dma_wait3A_91 = arith.constant 0 : i32
        %dma_wait3A_92 = tpu.memref_slice %arg11[%dma_wait3A_90, %dma_wait3A_91] : memref<10240x128xf32, #tpu.memory_space<vmem_shared>> -> memref<10240x128xf32, #tpu.memory_space<vmem_shared>>
        tpu.wait_indirect_dma semaphore(%arg13 : memref<!tpu.dma_semaphore, #tpu.memory_space<semaphore_mem>>) src(%arg9 : memref<128x128xf32, #tpu.memory_space<vmem>>) dst(%dma_wait3A_92 : memref<10240x128xf32, #tpu.memory_space<vmem_shared>>)
        %add3A_93 = arith.constant 1 : i32
        %add3A_94 = arith.addi %mul3A_56, %add3A_93 : i32
        "tpu.region"() ({
          %run_scoped3A = tpu.sem_alloc : memref<!tpu.dma_semaphore, #tpu.memory_space<semaphore_mem>>
          %dma_start3A_95 = arith.constant 0 : i32
          %dma_start3A_96 = tpu.memref_slice %arg8[%add3A_94, %dma_start3A_95] : memref<56x128xi32, #tpu.memory_space<vmem>> -> memref<1x128xi32, #tpu.memory_space<vmem>>
          %dma_start3A_97 = tpu.memref_squeeze %dma_start3A_96 : memref<1x128xi32, #tpu.memory_space<vmem>> -> memref<128xi32, #tpu.memory_space<vmem>>
          %dma_start3A_98 = arith.constant 0 : i32
          %dma_start3A_99 = arith.constant 0 : i32
          %dma_start3A_100 = tpu.memref_slice %arg11[%dma_start3A_98, %dma_start3A_99] : memref<10240x128xf32, #tpu.memory_space<vmem_shared>> -> memref<10240x128xf32, #tpu.memory_space<vmem_shared>>
          tpu.enqueue_indirect_dma source(%arg10 : memref<128x128xf32, #tpu.memory_space<vmem>>) target(%dma_start3A_100 : memref<10240x128xf32, #tpu.memory_space<vmem_shared>>) offsets(%dma_start3A_97 : memref<128xi32, #tpu.memory_space<vmem>>) semaphore(%run_scoped3A : memref<!tpu.dma_semaphore, #tpu.memory_space<semaphore_mem>>) {add = true}
          %dma_wait3A_101 = arith.constant 0 : i32
          %dma_wait3A_102 = tpu.memref_slice %arg8[%add3A_94, %dma_wait3A_101] : memref<56x128xi32, #tpu.memory_space<vmem>> -> memref<1x128xi32, #tpu.memory_space<vmem>>
          %dma_wait3A_103 = tpu.memref_squeeze %dma_wait3A_102 : memref<1x128xi32, #tpu.memory_space<vmem>> -> memref<128xi32, #tpu.memory_space<vmem>>
          %dma_wait3A_104 = arith.constant 0 : i32
          %dma_wait3A_105 = arith.constant 0 : i32
          %dma_wait3A_106 = tpu.memref_slice %arg11[%dma_wait3A_104, %dma_wait3A_105] : memref<10240x128xf32, #tpu.memory_space<vmem_shared>> -> memref<10240x128xf32, #tpu.memory_space<vmem_shared>>
          tpu.wait_indirect_dma semaphore(%run_scoped3A : memref<!tpu.dma_semaphore, #tpu.memory_space<semaphore_mem>>) src(%arg10 : memref<128x128xf32, #tpu.memory_space<vmem>>) dst(%dma_wait3A_106 : memref<10240x128xf32, #tpu.memory_space<vmem_shared>>)
          tpu.yield
        }) : () -> ()
      }
      %while3A_51 = arith.constant 1 : i32
      scf.for %while3A_52 = %while3A_49 to %while3A_45 step %while3A_51  : i32 {
        %mul3A_53 = arith.muli %while3A_52, %while3A : i32
        %add3A_54 = arith.addi %while3A_42, %mul3A_53 : i32
        %mul3A_55 = arith.constant 2 : i32
        %mul3A_56 = arith.muli %add3A_54, %mul3A_55 : i32
        %dma_start3A = arith.constant 0 : i32
        %dma_start3A_57 = tpu.memref_slice %arg7[%mul3A_56, %dma_start3A] : memref<56x128xi32, #tpu.memory_space<vmem>> -> memref<1x128xi32, #tpu.memory_space<vmem>>
        %dma_start3A_58 = tpu.memref_squeeze %dma_start3A_57 : memref<1x128xi32, #tpu.memory_space<vmem>> -> memref<128xi32, #tpu.memory_space<vmem>>
        %dma_start3A_59 = arith.constant 0 : i32
        %dma_start3A_60 = arith.constant 0 : i32
        %dma_start3A_61 = tpu.memref_slice %arg2[%dma_start3A_59, %dma_start3A_60] : memref<10240x128xf32, #tpu.memory_space<hbm>> -> memref<10240x128xf32, #tpu.memory_space<hbm>>
        tpu.enqueue_indirect_dma source(%dma_start3A_61 : memref<10240x128xf32, #tpu.memory_space<hbm>>) target(%arg9 : memref<128x128xf32, #tpu.memory_space<vmem>>) offsets(%dma_start3A_58 : memref<128xi32, #tpu.memory_space<vmem>>) semaphore(%arg12 : memref<!tpu.dma_semaphore, #tpu.memory_space<semaphore_mem>>)
        %dma_wait3A = arith.constant 0 : i32
        %dma_wait3A_62 = tpu.memref_slice %arg7[%mul3A_56, %dma_wait3A] : memref<56x128xi32, #tpu.memory_space<vmem>> -> memref<1x128xi32, #tpu.memory_space<vmem>>
        %dma_wait3A_63 = tpu.memref_squeeze %dma_wait3A_62 : memref<1x128xi32, #tpu.memory_space<vmem>> -> memref<128xi32, #tpu.memory_space<vmem>>
        %dma_wait3A_64 = arith.constant 0 : i32
        %dma_wait3A_65 = arith.constant 0 : i32
        %dma_wait3A_66 = tpu.memref_slice %arg2[%dma_wait3A_64, %dma_wait3A_65] : memref<10240x128xf32, #tpu.memory_space<hbm>> -> memref<10240x128xf32, #tpu.memory_space<hbm>>
        tpu.wait_indirect_dma semaphore(%arg12 : memref<!tpu.dma_semaphore, #tpu.memory_space<semaphore_mem>>) src(%dma_wait3A_66 : memref<10240x128xf32, #tpu.memory_space<hbm>>) dst(%arg9 : memref<128x128xf32, #tpu.memory_space<vmem>>)
        %dma_start3A_67 = arith.constant 0 : i32
        %dma_start3A_68 = tpu.memref_slice %arg8[%mul3A_56, %dma_start3A_67] : memref<56x128xi32, #tpu.memory_space<vmem>> -> memref<1x128xi32, #tpu.memory_space<vmem>>
        %dma_start3A_69 = tpu.memref_squeeze %dma_start3A_68 : memref<1x128xi32, #tpu.memory_space<vmem>> -> memref<128xi32, #tpu.memory_space<vmem>>
        %dma_start3A_70 = arith.constant 0 : i32
        %dma_start3A_71 = arith.constant 0 : i32
        %dma_start3A_72 = tpu.memref_slice %arg11[%dma_start3A_70, %dma_start3A_71] : memref<10240x128xf32, #tpu.memory_space<vmem_shared>> -> memref<10240x128xf32, #tpu.memory_space<vmem_shared>>
        tpu.enqueue_indirect_dma source(%arg9 : memref<128x128xf32, #tpu.memory_space<vmem>>) target(%dma_start3A_72 : memref<10240x128xf32, #tpu.memory_space<vmem_shared>>) offsets(%dma_start3A_69 : memref<128xi32, #tpu.memory_space<vmem>>) semaphore(%arg13 : memref<!tpu.dma_semaphore, #tpu.memory_space<semaphore_mem>>) {add = true}
        %add3A_73 = arith.constant 1 : i32
        %add3A_74 = arith.addi %mul3A_56, %add3A_73 : i32
        %dma_start3A_75 = arith.constant 0 : i32
        %dma_start3A_76 = tpu.memref_slice %arg7[%add3A_74, %dma_start3A_75] : memref<56x128xi32, #tpu.memory_space<vmem>> -> memref<1x128xi32, #tpu.memory_space<vmem>>
        %dma_start3A_77 = tpu.memref_squeeze %dma_start3A_76 : memref<1x128xi32, #tpu.memory_space<vmem>> -> memref<128xi32, #tpu.memory_space<vmem>>
        %dma_start3A_78 = arith.constant 0 : i32
        %dma_start3A_79 = arith.constant 0 : i32
        %dma_start3A_80 = tpu.memref_slice %arg2[%dma_start3A_78, %dma_start3A_79] : memref<10240x128xf32, #tpu.memory_space<hbm>> -> memref<10240x128xf32, #tpu.memory_space<hbm>>
        tpu.enqueue_indirect_dma source(%dma_start3A_80 : memref<10240x128xf32, #tpu.memory_space<hbm>>) target(%arg10 : memref<128x128xf32, #tpu.memory_space<vmem>>) offsets(%dma_start3A_77 : memref<128xi32, #tpu.memory_space<vmem>>) semaphore(%arg12 : memref<!tpu.dma_semaphore, #tpu.memory_space<semaphore_mem>>)
        %dma_wait3A_81 = arith.constant 0 : i32
        %dma_wait3A_82 = tpu.memref_slice %arg7[%add3A_74, %dma_wait3A_81] : memref<56x128xi32, #tpu.memory_space<vmem>> -> memref<1x128xi32, #tpu.memory_space<vmem>>
        %dma_wait3A_83 = tpu.memref_squeeze %dma_wait3A_82 : memref<1x128xi32, #tpu.memory_space<vmem>> -> memref<128xi32, #tpu.memory_space<vmem>>
        %dma_wait3A_84 = arith.constant 0 : i32
        %dma_wait3A_85 = arith.constant 0 : i32
        %dma_wait3A_86 = tpu.memref_slice %arg2[%dma_wait3A_84, %dma_wait3A_85] : memref<10240x128xf32, #tpu.memory_space<hbm>> -> memref<10240x128xf32, #tpu.memory_space<hbm>>
        tpu.wait_indirect_dma semaphore(%arg12 : memref<!tpu.dma_semaphore, #tpu.memory_space<semaphore_mem>>) src(%dma_wait3A_86 : memref<10240x128xf32, #tpu.memory_space<hbm>>) dst(%arg10 : memref<128x128xf32, #tpu.memory_space<vmem>>)
        %dma_wait3A_87 = arith.constant 0 : i32
        %dma_wait3A_88 = tpu.memref_slice %arg8[%mul3A_56, %dma_wait3A_87] : memref<56x128xi32, #tpu.memory_space<vmem>> -> memref<1x128xi32, #tpu.memory_space<vmem>>
        %dma_wait3A_89 = tpu.memref_squeeze %dma_wait3A_88 : memref<1x128xi32, #tpu.memory_space<vmem>> -> memref<128xi32, #tpu.memory_space<vmem>>
        %dma_wait3A_90 = arith.constant 0 : i32
        %dma_wait3A_91 = arith.constant 0 : i32
        %dma_wait3A_92 = tpu.memref_slice %arg11[%dma_wait3A_90, %dma_wait3A_91] : memref<10240x128xf32, #tpu.memory_space<vmem_shared>> -> memref<10240x128xf32, #tpu.memory_space<vmem_shared>>
        tpu.wait_indirect_dma semaphore(%arg13 : memref<!tpu.dma_semaphore, #tpu.memory_space<semaphore_mem>>) src(%arg9 : memref<128x128xf32, #tpu.memory_space<vmem>>) dst(%dma_wait3A_92 : memref<10240x128xf32, #tpu.memory_space<vmem_shared>>)
        %add3A_93 = arith.constant 1 : i32
        %add3A_94 = arith.addi %mul3A_56, %add3A_93 : i32
        "tpu.region"() ({
          %run_scoped3A = tpu.sem_alloc : memref<!tpu.dma_semaphore, #tpu.memory_space<semaphore_mem>>
          %dma_start3A_95 = arith.constant 0 : i32
          %dma_start3A_96 = tpu.memref_slice %arg8[%add3A_94, %dma_start3A_95] : memref<56x128xi32, #tpu.memory_space<vmem>> -> memref<1x128xi32, #tpu.memory_space<vmem>>
          %dma_start3A_97 = tpu.memref_squeeze %dma_start3A_96 : memref<1x128xi32, #tpu.memory_space<vmem>> -> memref<128xi32, #tpu.memory_space<vmem>>
          %dma_start3A_98 = arith.constant 0 : i32
          %dma_start3A_99 = arith.constant 0 : i32
          %dma_start3A_100 = tpu.memref_slice %arg11[%dma_start3A_98, %dma_start3A_99] : memref<10240x128xf32, #tpu.memory_space<vmem_shared>> -> memref<10240x128xf32, #tpu.memory_space<vmem_shared>>
          tpu.enqueue_indirect_dma source(%arg10 : memref<128x128xf32, #tpu.memory_space<vmem>>) target(%dma_start3A_100 : memref<10240x128xf32, #tpu.memory_space<vmem_shared>>) offsets(%dma_start3A_97 : memref<128xi32, #tpu.memory_space<vmem>>) semaphore(%run_scoped3A : memref<!tpu.dma_semaphore, #tpu.memory_space<semaphore_mem>>) {add = true}
          %dma_wait3A_101 = arith.constant 0 : i32
          %dma_wait3A_102 = tpu.memref_slice %arg8[%add3A_94, %dma_wait3A_101] : memref<56x128xi32, #tpu.memory_space<vmem>> -> memref<1x128xi32, #tpu.memory_space<vmem>>
          %dma_wait3A_103 = tpu.memref_squeeze %dma_wait3A_102 : memref<1x128xi32, #tpu.memory_space<vmem>> -> memref<128xi32, #tpu.memory_space<vmem>>
          %dma_wait3A_104 = arith.constant 0 : i32
          %dma_wait3A_105 = arith.constant 0 : i32
          %dma_wait3A_106 = tpu.memref_slice %arg11[%dma_wait3A_104, %dma_wait3A_105] : memref<10240x128xf32, #tpu.memory_space<vmem_shared>> -> memref<10240x128xf32, #tpu.memory_space<vmem_shared>>
          tpu.wait_indirect_dma semaphore(%run_scoped3A : memref<!tpu.dma_semaphore, #tpu.memory_space<semaphore_mem>>) src(%arg10 : memref<128x128xf32, #tpu.memory_space<vmem>>) dst(%dma_wait3A_106 : memref<10240x128xf32, #tpu.memory_space<vmem_shared>>)
          tpu.yield
        }) : () -> ()
      }
    }
    %scan3A_10 = arith.constant 3 : i32
    %barrier3A_11 = arith.constant 0 : index
    tpu.barrier barrier_id(%barrier3A_11)
    %mul3A_12 = arith.constant 640 : i32
    %mul3A_13 = arith.muli %arg1, %mul3A_12 : i32
    %mul3A_14 = arith.constant 640 : i32
    %mul3A_15 = arith.muli %arg1, %mul3A_14 : i32
    "tpu.region"() ({
      %run_scoped3A = tpu.sem_alloc : memref<!tpu.dma_semaphore, #tpu.memory_space<semaphore_mem>>
      %dma_start3A = arith.constant 0 : i32
      %dma_start3A_16 = tpu.memref_slice %arg6[%arg0, %mul3A_15, %dma_start3A] : memref<2x10240x128xf32, #tpu.memory_space<hbm>> -> memref<1x640x128xf32, #tpu.memory_space<hbm>>
      %dma_start3A_17 = tpu.memref_squeeze %dma_start3A_16 : memref<1x640x128xf32, #tpu.memory_space<hbm>> -> memref<640x128xf32, #tpu.memory_space<hbm>>
      %dma_start3A_18 = arith.constant 0 : i32
      %dma_start3A_19 = tpu.memref_slice %arg11[%mul3A_13, %dma_start3A_18] : memref<10240x128xf32, #tpu.memory_space<vmem_shared>> -> memref<640x128xf32, #tpu.memory_space<vmem_shared>>
      tpu.enqueue_dma source(%dma_start3A_19 : memref<640x128xf32, #tpu.memory_space<vmem_shared>>) target(%dma_start3A_17 : memref<640x128xf32, #tpu.memory_space<hbm>>) target_semaphore(%run_scoped3A : memref<!tpu.dma_semaphore, #tpu.memory_space<semaphore_mem>>)
      %dma_wait3A = arith.constant 0 : i32
      %dma_wait3A_20 = tpu.memref_slice %arg6[%arg0, %mul3A_15, %dma_wait3A] : memref<2x10240x128xf32, #tpu.memory_space<hbm>> -> memref<1x640x128xf32, #tpu.memory_space<hbm>>
      %dma_wait3A_21 = tpu.memref_squeeze %dma_wait3A_20 : memref<1x640x128xf32, #tpu.memory_space<hbm>> -> memref<640x128xf32, #tpu.memory_space<hbm>>
      %dma_wait3A_22 = arith.constant 0 : i32
      %dma_wait3A_23 = tpu.memref_slice %arg11[%mul3A_13, %dma_wait3A_22] : memref<10240x128xf32, #tpu.memory_space<vmem_shared>> -> memref<640x128xf32, #tpu.memory_space<vmem_shared>>
      tpu.wait_dma2 semaphore(%run_scoped3A : memref<!tpu.dma_semaphore, #tpu.memory_space<semaphore_mem>>) src(%dma_wait3A_23 : memref<640x128xf32, #tpu.memory_space<vmem_shared>>) dst(%dma_wait3A_21 : memref<640x128xf32, #tpu.memory_space<hbm>>)
      tpu.yield
    }) : () -> ()
    return
  }
}

#map = affine_map<(d0, d1) -> (0, 0)>
#map1 = affine_map<(d0, d1) -> (0, 0, 0)>
module attributes {stable_mosaic.version = 14 : i64} {
  func.func @k(%arg0: i32, %arg1: i32, %arg2: memref<10240x128xf32, #tpu.memory_space<hbm>>, %arg3: memref<2688x128xi32, #tpu.memory_space<hbm>>, %arg4: memref<2688x128xi32, #tpu.memory_space<hbm>>, %arg5: memref<10240x128xf32, #tpu.memory_space<hbm>>, %arg6: memref<2x10240x128xf32, #tpu.memory_space<hbm>>, %arg7: memref<56x128xi32, #tpu.memory_space<vmem>>, %arg8: memref<56x128xi32, #tpu.memory_space<vmem>>, %arg9: memref<128x128xf32, #tpu.memory_space<vmem>>, %arg10: memref<128x128xf32, #tpu.memory_space<vmem>>, %arg11: memref<10240x128xf32, #tpu.memory_space<vmem_shared>>, %arg12: memref<!tpu.dma_semaphore, #tpu.memory_space<semaphore_mem>>, %arg13: memref<!tpu.dma_semaphore, #tpu.memory_space<semaphore_mem>>) attributes {dimension_semantics = [#tpu.dimension_semantics<core_parallel>, #tpu.dimension_semantics<subcore_parallel>], iteration_bounds = array<i64: 2, 16>, scalar_prefetch = 0 : i64, scratch_operands = 7 : i64, tpu.core_type = #tpu.core_type<sc_vector_subcore>, window_params = [{transform_indices = #map}, {transform_indices = #map}, {transform_indices = #map}, {transform_indices = #map}, {transform_indices = #map1}]} {
    %mul3A = arith.constant 160 : i32
    %mul3A_0 = arith.muli %arg1, %mul3A : i32
    %mul3A_1 = arith.constant 120 : i32
    %mul3A_2 = arith.muli %arg0, %mul3A_1 : i32
    %add3A = arith.addi %mul3A_0, %mul3A_2 : i32
    %mul3A_3 = arith.constant 640 : i32
    %mul3A_4 = arith.muli %arg1, %mul3A_3 : i32
    %mul3A_5 = arith.constant 640 : i32
    %mul3A_6 = arith.muli %arg1, %mul3A_5 : i32
    "tpu.region"() ({
      %run_scoped3A = tpu.sem_alloc : memref<!tpu.dma_semaphore, #tpu.memory_space<semaphore_mem>>
      %dma_start3A = arith.constant 0 : i32
      %dma_start3A_16 = tpu.memref_slice %arg11[%mul3A_6, %dma_start3A] : memref<10240x128xf32, #tpu.memory_space<vmem_shared>> -> memref<640x128xf32, #tpu.memory_space<vmem_shared>>
      %dma_start3A_17 = arith.constant 0 : i32
      %dma_start3A_18 = tpu.memref_slice %arg5[%mul3A_4, %dma_start3A_17] : memref<10240x128xf32, #tpu.memory_space<hbm>> -> memref<640x128xf32, #tpu.memory_space<hbm>>
      tpu.enqueue_dma source(%dma_start3A_18 : memref<640x128xf32, #tpu.memory_space<hbm>>) target(%dma_start3A_16 : memref<640x128xf32, #tpu.memory_space<vmem_shared>>) target_semaphore(%run_scoped3A : memref<!tpu.dma_semaphore, #tpu.memory_space<semaphore_mem>>)
      %dma_wait3A = arith.constant 0 : i32
      %dma_wait3A_19 = tpu.memref_slice %arg11[%mul3A_6, %dma_wait3A] : memref<10240x128xf32, #tpu.memory_space<vmem_shared>> -> memref<640x128xf32, #tpu.memory_space<vmem_shared>>
      %dma_wait3A_20 = arith.constant 0 : i32
      %dma_wait3A_21 = tpu.memref_slice %arg5[%mul3A_4, %dma_wait3A_20] : memref<10240x128xf32, #tpu.memory_space<hbm>> -> memref<640x128xf32, #tpu.memory_space<hbm>>
      tpu.wait_dma2 semaphore(%run_scoped3A : memref<!tpu.dma_semaphore, #tpu.memory_space<semaphore_mem>>) src(%dma_wait3A_21 : memref<640x128xf32, #tpu.memory_space<hbm>>) dst(%dma_wait3A_19 : memref<640x128xf32, #tpu.memory_space<vmem_shared>>)
      tpu.yield
    }) : () -> ()
    %barrier3A = arith.constant 0 : index
    tpu.barrier barrier_id(%barrier3A)
    %scan3A = arith.constant 0 : i32
    %scan3A_7 = arith.constant 3 : i32
    %scan3A_8 = arith.addi %scan3A, %scan3A_7 : i32
    %scan3A_9 = arith.constant 1 : i32
    scf.for %scan3A_16 = %scan3A to %scan3A_8 step %scan3A_9  : i32 {
      %mul3A_17 = arith.constant 1 : i32
      %mul3A_18 = arith.muli %scan3A_16, %mul3A_17 : i32
      %add3A_19 = arith.constant 0 : i32
      %add3A_20 = arith.addi %add3A_19, %mul3A_18 : i32
      %mul3A_21 = arith.constant 56 : i32
      %mul3A_22 = arith.muli %add3A_20, %mul3A_21 : i32
      %add3A_23 = arith.addi %add3A, %mul3A_22 : i32
      "tpu.region"() ({
        %run_scoped3A = tpu.sem_alloc : memref<!tpu.dma_semaphore, #tpu.memory_space<semaphore_mem>>
        %dma_start3A = arith.constant 0 : i32
        %dma_start3A_52 = tpu.memref_slice %arg3[%add3A_23, %dma_start3A] : memref<2688x128xi32, #tpu.memory_space<hbm>> -> memref<56x128xi32, #tpu.memory_space<hbm>>
        %dma_start3A_53 = arith.constant 0 : i32
        %dma_start3A_54 = tpu.memref_slice %arg3[%add3A_23, %dma_start3A_53] : memref<2688x128xi32, #tpu.memory_space<hbm>> -> memref<56x128xi32, #tpu.memory_space<hbm>>
        tpu.enqueue_dma source(%dma_start3A_54 : memref<56x128xi32, #tpu.memory_space<hbm>>) target(%arg7 : memref<56x128xi32, #tpu.memory_space<vmem>>) target_semaphore(%run_scoped3A : memref<!tpu.dma_semaphore, #tpu.memory_space<semaphore_mem>>)
        %dma_wait3A = arith.constant 0 : i32
        %dma_wait3A_55 = tpu.memref_slice %arg3[%add3A_23, %dma_wait3A] : memref<2688x128xi32, #tpu.memory_space<hbm>> -> memref<56x128xi32, #tpu.memory_space<hbm>>
        %dma_wait3A_56 = arith.constant 0 : i32
        %dma_wait3A_57 = tpu.memref_slice %arg3[%add3A_23, %dma_wait3A_56] : memref<2688x128xi32, #tpu.memory_space<hbm>> -> memref<56x128xi32, #tpu.memory_space<hbm>>
        tpu.wait_dma2 semaphore(%run_scoped3A : memref<!tpu.dma_semaphore, #tpu.memory_space<semaphore_mem>>) src(%dma_wait3A_57 : memref<56x128xi32, #tpu.memory_space<hbm>>) dst(%arg7 : memref<56x128xi32, #tpu.memory_space<vmem>>)
        tpu.yield
      }) : () -> ()
      %mul3A_24 = arith.constant 56 : i32
      %mul3A_25 = arith.muli %add3A_20, %mul3A_24 : i32
      %add3A_26 = arith.addi %add3A, %mul3A_25 : i32
      "tpu.region"() ({
        %run_scoped3A = tpu.sem_alloc : memref<!tpu.dma_semaphore, #tpu.memory_space<semaphore_mem>>
        %dma_start3A = arith.constant 0 : i32
        %dma_start3A_52 = tpu.memref_slice %arg4[%add3A_26, %dma_start3A] : memref<2688x128xi32, #tpu.memory_space<hbm>> -> memref<56x128xi32, #tpu.memory_space<hbm>>
        %dma_start3A_53 = arith.constant 0 : i32
        %dma_start3A_54 = tpu.memref_slice %arg4[%add3A_26, %dma_start3A_53] : memref<2688x128xi32, #tpu.memory_space<hbm>> -> memref<56x128xi32, #tpu.memory_space<hbm>>
        tpu.enqueue_dma source(%dma_start3A_54 : memref<56x128xi32, #tpu.memory_space<hbm>>) target(%arg8 : memref<56x128xi32, #tpu.memory_space<vmem>>) target_semaphore(%run_scoped3A : memref<!tpu.dma_semaphore, #tpu.memory_space<semaphore_mem>>)
        %dma_wait3A = arith.constant 0 : i32
        %dma_wait3A_55 = tpu.memref_slice %arg4[%add3A_26, %dma_wait3A] : memref<2688x128xi32, #tpu.memory_space<hbm>> -> memref<56x128xi32, #tpu.memory_space<hbm>>
        %dma_wait3A_56 = arith.constant 0 : i32
        %dma_wait3A_57 = tpu.memref_slice %arg4[%add3A_26, %dma_wait3A_56] : memref<2688x128xi32, #tpu.memory_space<hbm>> -> memref<56x128xi32, #tpu.memory_space<hbm>>
        tpu.wait_dma2 semaphore(%run_scoped3A : memref<!tpu.dma_semaphore, #tpu.memory_space<semaphore_mem>>) src(%dma_wait3A_57 : memref<56x128xi32, #tpu.memory_space<hbm>>) dst(%arg8 : memref<56x128xi32, #tpu.memory_space<vmem>>)
        tpu.yield
      }) : () -> ()
      %mul3A_27 = arith.constant 40 : i32
      %mul3A_28 = arith.muli %mul3A_27, %arg0 : i32
      %sub3A = arith.constant 60 : i32
      %sub3A_29 = arith.subi %sub3A, %mul3A_28 : i32
      %mul3A_30 = arith.constant 28 : i32
      %mul3A_31 = arith.muli %mul3A_30, %add3A_20 : i32
      %sub3A_32 = arith.subi %sub3A_29, %mul3A_31 : i32
      %max3A = arith.constant 0 : i32
      %max3A_33 = arith.maxsi %max3A, %sub3A_32 : i32
      %min3A = arith.constant 28 : i32
      %min3A_34 = arith.minsi %min3A, %max3A_33 : i32
      %sub3A_35 = arith.constant 0 : i32
      %sub3A_36 = arith.subi %min3A_34, %sub3A_35 : i32
      %sub3A_37 = arith.constant 1 : i32
      %sub3A_38 = arith.constant 1 : i32
      %sub3A_39 = arith.subi %sub3A_37, %sub3A_38 : i32
      %add3A_40 = arith.addi %sub3A_36, %sub3A_39 : i32
      %div3A = arith.constant 1 : i32
      %div3A_41 = arith.divsi %add3A_40, %div3A : i32
      %while3A = arith.constant 1 : i32
      %while3A_42 = arith.constant 0 : i32
      %while3A_43 = arith.constant 0 : i32
      %while3A_44 = arith.subi %div3A_41, %while3A_43 : i32
      %while3A_45 = arith.addi %while3A_43, %while3A_44 : i32
      %while3A_46 = arith.constant 1 : i32
      %while3A_47 = arith.divsi %while3A_44, %while3A_46 : i32
      %while3A_48 = arith.muli %while3A_47, %while3A_46 : i32
      %while3A_49 = arith.addi %while3A_43, %while3A_48 : i32
      %while3A_50 = arith.constant 1 : i32
      scf.for %while3A_52 = %while3A_43 to %while3A_49 step %while3A_50  : i32 {
        %mul3A_53 = arith.muli %while3A_52, %while3A : i32
        %add3A_54 = arith.addi %while3A_42, %mul3A_53 : i32
        %mul3A_55 = arith.constant 2 : i32
        %mul3A_56 = arith.muli %add3A_54, %mul3A_55 : i32
        %dma_start3A = arith.constant 0 : i32
        %dma_start3A_57 = tpu.memref_slice %arg7[%mul3A_56, %dma_start3A] : memref<56x128xi32, #tpu.memory_space<vmem>> -> memref<1x128xi32, #tpu.memory_space<vmem>>
        %dma_start3A_58 = tpu.memref_squeeze %dma_start3A_57 : memref<1x128xi32, #tpu.memory_space<vmem>> -> memref<128xi32, #tpu.memory_space<vmem>>
        %dma_start3A_59 = arith.constant 0 : i32
        %dma_start3A_60 = arith.constant 0 : i32
        %dma_start3A_61 = tpu.memref_slice %arg2[%dma_start3A_59, %dma_start3A_60] : memref<10240x128xf32, #tpu.memory_space<hbm>> -> memref<10240x128xf32, #tpu.memory_space<hbm>>
        tpu.enqueue_indirect_dma source(%dma_start3A_61 : memref<10240x128xf32, #tpu.memory_space<hbm>>) target(%arg9 : memref<128x128xf32, #tpu.memory_space<vmem>>) offsets(%dma_start3A_58 : memref<128xi32, #tpu.memory_space<vmem>>) semaphore(%arg12 : memref<!tpu.dma_semaphore, #tpu.memory_space<semaphore_mem>>)
        %dma_wait3A = arith.constant 0 : i32
        %dma_wait3A_62 = tpu.memref_slice %arg7[%mul3A_56, %dma_wait3A] : memref<56x128xi32, #tpu.memory_space<vmem>> -> memref<1x128xi32, #tpu.memory_space<vmem>>
        %dma_wait3A_63 = tpu.memref_squeeze %dma_wait3A_62 : memref<1x128xi32, #tpu.memory_space<vmem>> -> memref<128xi32, #tpu.memory_space<vmem>>
        %dma_wait3A_64 = arith.constant 0 : i32
        %dma_wait3A_65 = arith.constant 0 : i32
        %dma_wait3A_66 = tpu.memref_slice %arg2[%dma_wait3A_64, %dma_wait3A_65] : memref<10240x128xf32, #tpu.memory_space<hbm>> -> memref<10240x128xf32, #tpu.memory_space<hbm>>
        tpu.wait_indirect_dma semaphore(%arg12 : memref<!tpu.dma_semaphore, #tpu.memory_space<semaphore_mem>>) src(%dma_wait3A_66 : memref<10240x128xf32, #tpu.memory_space<hbm>>) dst(%arg9 : memref<128x128xf32, #tpu.memory_space<vmem>>)
        %dma_start3A_67 = arith.constant 0 : i32
        %dma_start3A_68 = tpu.memref_slice %arg8[%mul3A_56, %dma_start3A_67] : memref<56x128xi32, #tpu.memory_space<vmem>> -> memref<1x128xi32, #tpu.memory_space<vmem>>
        %dma_start3A_69 = tpu.memref_squeeze %dma_start3A_68 : memref<1x128xi32, #tpu.memory_space<vmem>> -> memref<128xi32, #tpu.memory_space<vmem>>
        %dma_start3A_70 = arith.constant 0 : i32
        %dma_start3A_71 = arith.constant 0 : i32
        %dma_start3A_72 = tpu.memref_slice %arg11[%dma_start3A_70, %dma_start3A_71] : memref<10240x128xf32, #tpu.memory_space<vmem_shared>> -> memref<10240x128xf32, #tpu.memory_space<vmem_shared>>
        tpu.enqueue_indirect_dma source(%arg9 : memref<128x128xf32, #tpu.memory_space<vmem>>) target(%dma_start3A_72 : memref<10240x128xf32, #tpu.memory_space<vmem_shared>>) offsets(%dma_start3A_69 : memref<128xi32, #tpu.memory_space<vmem>>) semaphore(%arg13 : memref<!tpu.dma_semaphore, #tpu.memory_space<semaphore_mem>>) {add = true}
        %add3A_73 = arith.constant 1 : i32
        %add3A_74 = arith.addi %mul3A_56, %add3A_73 : i32
        %dma_start3A_75 = arith.constant 0 : i32
        %dma_start3A_76 = tpu.memref_slice %arg7[%add3A_74, %dma_start3A_75] : memref<56x128xi32, #tpu.memory_space<vmem>> -> memref<1x128xi32, #tpu.memory_space<vmem>>
        %dma_start3A_77 = tpu.memref_squeeze %dma_start3A_76 : memref<1x128xi32, #tpu.memory_space<vmem>> -> memref<128xi32, #tpu.memory_space<vmem>>
        %dma_start3A_78 = arith.constant 0 : i32
        %dma_start3A_79 = arith.constant 0 : i32
        %dma_start3A_80 = tpu.memref_slice %arg2[%dma_start3A_78, %dma_start3A_79] : memref<10240x128xf32, #tpu.memory_space<hbm>> -> memref<10240x128xf32, #tpu.memory_space<hbm>>
        tpu.enqueue_indirect_dma source(%dma_start3A_80 : memref<10240x128xf32, #tpu.memory_space<hbm>>) target(%arg10 : memref<128x128xf32, #tpu.memory_space<vmem>>) offsets(%dma_start3A_77 : memref<128xi32, #tpu.memory_space<vmem>>) semaphore(%arg12 : memref<!tpu.dma_semaphore, #tpu.memory_space<semaphore_mem>>)
        %dma_wait3A_81 = arith.constant 0 : i32
        %dma_wait3A_82 = tpu.memref_slice %arg7[%add3A_74, %dma_wait3A_81] : memref<56x128xi32, #tpu.memory_space<vmem>> -> memref<1x128xi32, #tpu.memory_space<vmem>>
        %dma_wait3A_83 = tpu.memref_squeeze %dma_wait3A_82 : memref<1x128xi32, #tpu.memory_space<vmem>> -> memref<128xi32, #tpu.memory_space<vmem>>
        %dma_wait3A_84 = arith.constant 0 : i32
        %dma_wait3A_85 = arith.constant 0 : i32
        %dma_wait3A_86 = tpu.memref_slice %arg2[%dma_wait3A_84, %dma_wait3A_85] : memref<10240x128xf32, #tpu.memory_space<hbm>> -> memref<10240x128xf32, #tpu.memory_space<hbm>>
        tpu.wait_indirect_dma semaphore(%arg12 : memref<!tpu.dma_semaphore, #tpu.memory_space<semaphore_mem>>) src(%dma_wait3A_86 : memref<10240x128xf32, #tpu.memory_space<hbm>>) dst(%arg10 : memref<128x128xf32, #tpu.memory_space<vmem>>)
        %dma_wait3A_87 = arith.constant 0 : i32
        %dma_wait3A_88 = tpu.memref_slice %arg8[%mul3A_56, %dma_wait3A_87] : memref<56x128xi32, #tpu.memory_space<vmem>> -> memref<1x128xi32, #tpu.memory_space<vmem>>
        %dma_wait3A_89 = tpu.memref_squeeze %dma_wait3A_88 : memref<1x128xi32, #tpu.memory_space<vmem>> -> memref<128xi32, #tpu.memory_space<vmem>>
        %dma_wait3A_90 = arith.constant 0 : i32
        %dma_wait3A_91 = arith.constant 0 : i32
        %dma_wait3A_92 = tpu.memref_slice %arg11[%dma_wait3A_90, %dma_wait3A_91] : memref<10240x128xf32, #tpu.memory_space<vmem_shared>> -> memref<10240x128xf32, #tpu.memory_space<vmem_shared>>
        tpu.wait_indirect_dma semaphore(%arg13 : memref<!tpu.dma_semaphore, #tpu.memory_space<semaphore_mem>>) src(%arg9 : memref<128x128xf32, #tpu.memory_space<vmem>>) dst(%dma_wait3A_92 : memref<10240x128xf32, #tpu.memory_space<vmem_shared>>)
        %add3A_93 = arith.constant 1 : i32
        %add3A_94 = arith.addi %mul3A_56, %add3A_93 : i32
        "tpu.region"() ({
          %run_scoped3A = tpu.sem_alloc : memref<!tpu.dma_semaphore, #tpu.memory_space<semaphore_mem>>
          %dma_start3A_95 = arith.constant 0 : i32
          %dma_start3A_96 = tpu.memref_slice %arg8[%add3A_94, %dma_start3A_95] : memref<56x128xi32, #tpu.memory_space<vmem>> -> memref<1x128xi32, #tpu.memory_space<vmem>>
          %dma_start3A_97 = tpu.memref_squeeze %dma_start3A_96 : memref<1x128xi32, #tpu.memory_space<vmem>> -> memref<128xi32, #tpu.memory_space<vmem>>
          %dma_start3A_98 = arith.constant 0 : i32
          %dma_start3A_99 = arith.constant 0 : i32
          %dma_start3A_100 = tpu.memref_slice %arg11[%dma_start3A_98, %dma_start3A_99] : memref<10240x128xf32, #tpu.memory_space<vmem_shared>> -> memref<10240x128xf32, #tpu.memory_space<vmem_shared>>
          tpu.enqueue_indirect_dma source(%arg10 : memref<128x128xf32, #tpu.memory_space<vmem>>) target(%dma_start3A_100 : memref<10240x128xf32, #tpu.memory_space<vmem_shared>>) offsets(%dma_start3A_97 : memref<128xi32, #tpu.memory_space<vmem>>) semaphore(%run_scoped3A : memref<!tpu.dma_semaphore, #tpu.memory_space<semaphore_mem>>) {add = true}
          %dma_wait3A_101 = arith.constant 0 : i32
          %dma_wait3A_102 = tpu.memref_slice %arg8[%add3A_94, %dma_wait3A_101] : memref<56x128xi32, #tpu.memory_space<vmem>> -> memref<1x128xi32, #tpu.memory_space<vmem>>
          %dma_wait3A_103 = tpu.memref_squeeze %dma_wait3A_102 : memref<1x128xi32, #tpu.memory_space<vmem>> -> memref<128xi32, #tpu.memory_space<vmem>>
          %dma_wait3A_104 = arith.constant 0 : i32
          %dma_wait3A_105 = arith.constant 0 : i32
          %dma_wait3A_106 = tpu.memref_slice %arg11[%dma_wait3A_104, %dma_wait3A_105] : memref<10240x128xf32, #tpu.memory_space<vmem_shared>> -> memref<10240x128xf32, #tpu.memory_space<vmem_shared>>
          tpu.wait_indirect_dma semaphore(%run_scoped3A : memref<!tpu.dma_semaphore, #tpu.memory_space<semaphore_mem>>) src(%arg10 : memref<128x128xf32, #tpu.memory_space<vmem>>) dst(%dma_wait3A_106 : memref<10240x128xf32, #tpu.memory_space<vmem_shared>>)
          tpu.yield
        }) : () -> ()
      }
      %while3A_51 = arith.constant 1 : i32
      scf.for %while3A_52 = %while3A_49 to %while3A_45 step %while3A_51  : i32 {
        %mul3A_53 = arith.muli %while3A_52, %while3A : i32
        %add3A_54 = arith.addi %while3A_42, %mul3A_53 : i32
        %mul3A_55 = arith.constant 2 : i32
        %mul3A_56 = arith.muli %add3A_54, %mul3A_55 : i32
        %dma_start3A = arith.constant 0 : i32
        %dma_start3A_57 = tpu.memref_slice %arg7[%mul3A_56, %dma_start3A] : memref<56x128xi32, #tpu.memory_space<vmem>> -> memref<1x128xi32, #tpu.memory_space<vmem>>
        %dma_start3A_58 = tpu.memref_squeeze %dma_start3A_57 : memref<1x128xi32, #tpu.memory_space<vmem>> -> memref<128xi32, #tpu.memory_space<vmem>>
        %dma_start3A_59 = arith.constant 0 : i32
        %dma_start3A_60 = arith.constant 0 : i32
        %dma_start3A_61 = tpu.memref_slice %arg2[%dma_start3A_59, %dma_start3A_60] : memref<10240x128xf32, #tpu.memory_space<hbm>> -> memref<10240x128xf32, #tpu.memory_space<hbm>>
        tpu.enqueue_indirect_dma source(%dma_start3A_61 : memref<10240x128xf32, #tpu.memory_space<hbm>>) target(%arg9 : memref<128x128xf32, #tpu.memory_space<vmem>>) offsets(%dma_start3A_58 : memref<128xi32, #tpu.memory_space<vmem>>) semaphore(%arg12 : memref<!tpu.dma_semaphore, #tpu.memory_space<semaphore_mem>>)
        %dma_wait3A = arith.constant 0 : i32
        %dma_wait3A_62 = tpu.memref_slice %arg7[%mul3A_56, %dma_wait3A] : memref<56x128xi32, #tpu.memory_space<vmem>> -> memref<1x128xi32, #tpu.memory_space<vmem>>
        %dma_wait3A_63 = tpu.memref_squeeze %dma_wait3A_62 : memref<1x128xi32, #tpu.memory_space<vmem>> -> memref<128xi32, #tpu.memory_space<vmem>>
        %dma_wait3A_64 = arith.constant 0 : i32
        %dma_wait3A_65 = arith.constant 0 : i32
        %dma_wait3A_66 = tpu.memref_slice %arg2[%dma_wait3A_64, %dma_wait3A_65] : memref<10240x128xf32, #tpu.memory_space<hbm>> -> memref<10240x128xf32, #tpu.memory_space<hbm>>
        tpu.wait_indirect_dma semaphore(%arg12 : memref<!tpu.dma_semaphore, #tpu.memory_space<semaphore_mem>>) src(%dma_wait3A_66 : memref<10240x128xf32, #tpu.memory_space<hbm>>) dst(%arg9 : memref<128x128xf32, #tpu.memory_space<vmem>>)
        %dma_start3A_67 = arith.constant 0 : i32
        %dma_start3A_68 = tpu.memref_slice %arg8[%mul3A_56, %dma_start3A_67] : memref<56x128xi32, #tpu.memory_space<vmem>> -> memref<1x128xi32, #tpu.memory_space<vmem>>
        %dma_start3A_69 = tpu.memref_squeeze %dma_start3A_68 : memref<1x128xi32, #tpu.memory_space<vmem>> -> memref<128xi32, #tpu.memory_space<vmem>>
        %dma_start3A_70 = arith.constant 0 : i32
        %dma_start3A_71 = arith.constant 0 : i32
        %dma_start3A_72 = tpu.memref_slice %arg11[%dma_start3A_70, %dma_start3A_71] : memref<10240x128xf32, #tpu.memory_space<vmem_shared>> -> memref<10240x128xf32, #tpu.memory_space<vmem_shared>>
        tpu.enqueue_indirect_dma source(%arg9 : memref<128x128xf32, #tpu.memory_space<vmem>>) target(%dma_start3A_72 : memref<10240x128xf32, #tpu.memory_space<vmem_shared>>) offsets(%dma_start3A_69 : memref<128xi32, #tpu.memory_space<vmem>>) semaphore(%arg13 : memref<!tpu.dma_semaphore, #tpu.memory_space<semaphore_mem>>) {add = true}
        %add3A_73 = arith.constant 1 : i32
        %add3A_74 = arith.addi %mul3A_56, %add3A_73 : i32
        %dma_start3A_75 = arith.constant 0 : i32
        %dma_start3A_76 = tpu.memref_slice %arg7[%add3A_74, %dma_start3A_75] : memref<56x128xi32, #tpu.memory_space<vmem>> -> memref<1x128xi32, #tpu.memory_space<vmem>>
        %dma_start3A_77 = tpu.memref_squeeze %dma_start3A_76 : memref<1x128xi32, #tpu.memory_space<vmem>> -> memref<128xi32, #tpu.memory_space<vmem>>
        %dma_start3A_78 = arith.constant 0 : i32
        %dma_start3A_79 = arith.constant 0 : i32
        %dma_start3A_80 = tpu.memref_slice %arg2[%dma_start3A_78, %dma_start3A_79] : memref<10240x128xf32, #tpu.memory_space<hbm>> -> memref<10240x128xf32, #tpu.memory_space<hbm>>
        tpu.enqueue_indirect_dma source(%dma_start3A_80 : memref<10240x128xf32, #tpu.memory_space<hbm>>) target(%arg10 : memref<128x128xf32, #tpu.memory_space<vmem>>) offsets(%dma_start3A_77 : memref<128xi32, #tpu.memory_space<vmem>>) semaphore(%arg12 : memref<!tpu.dma_semaphore, #tpu.memory_space<semaphore_mem>>)
        %dma_wait3A_81 = arith.constant 0 : i32
        %dma_wait3A_82 = tpu.memref_slice %arg7[%add3A_74, %dma_wait3A_81] : memref<56x128xi32, #tpu.memory_space<vmem>> -> memref<1x128xi32, #tpu.memory_space<vmem>>
        %dma_wait3A_83 = tpu.memref_squeeze %dma_wait3A_82 : memref<1x128xi32, #tpu.memory_space<vmem>> -> memref<128xi32, #tpu.memory_space<vmem>>
        %dma_wait3A_84 = arith.constant 0 : i32
        %dma_wait3A_85 = arith.constant 0 : i32
        %dma_wait3A_86 = tpu.memref_slice %arg2[%dma_wait3A_84, %dma_wait3A_85] : memref<10240x128xf32, #tpu.memory_space<hbm>> -> memref<10240x128xf32, #tpu.memory_space<hbm>>
        tpu.wait_indirect_dma semaphore(%arg12 : memref<!tpu.dma_semaphore, #tpu.memory_space<semaphore_mem>>) src(%dma_wait3A_86 : memref<10240x128xf32, #tpu.memory_space<hbm>>) dst(%arg10 : memref<128x128xf32, #tpu.memory_space<vmem>>)
        %dma_wait3A_87 = arith.constant 0 : i32
        %dma_wait3A_88 = tpu.memref_slice %arg8[%mul3A_56, %dma_wait3A_87] : memref<56x128xi32, #tpu.memory_space<vmem>> -> memref<1x128xi32, #tpu.memory_space<vmem>>
        %dma_wait3A_89 = tpu.memref_squeeze %dma_wait3A_88 : memref<1x128xi32, #tpu.memory_space<vmem>> -> memref<128xi32, #tpu.memory_space<vmem>>
        %dma_wait3A_90 = arith.constant 0 : i32
        %dma_wait3A_91 = arith.constant 0 : i32
        %dma_wait3A_92 = tpu.memref_slice %arg11[%dma_wait3A_90, %dma_wait3A_91] : memref<10240x128xf32, #tpu.memory_space<vmem_shared>> -> memref<10240x128xf32, #tpu.memory_space<vmem_shared>>
        tpu.wait_indirect_dma semaphore(%arg13 : memref<!tpu.dma_semaphore, #tpu.memory_space<semaphore_mem>>) src(%arg9 : memref<128x128xf32, #tpu.memory_space<vmem>>) dst(%dma_wait3A_92 : memref<10240x128xf32, #tpu.memory_space<vmem_shared>>)
        %add3A_93 = arith.constant 1 : i32
        %add3A_94 = arith.addi %mul3A_56, %add3A_93 : i32
        "tpu.region"() ({
          %run_scoped3A = tpu.sem_alloc : memref<!tpu.dma_semaphore, #tpu.memory_space<semaphore_mem>>
          %dma_start3A_95 = arith.constant 0 : i32
          %dma_start3A_96 = tpu.memref_slice %arg8[%add3A_94, %dma_start3A_95] : memref<56x128xi32, #tpu.memory_space<vmem>> -> memref<1x128xi32, #tpu.memory_space<vmem>>
          %dma_start3A_97 = tpu.memref_squeeze %dma_start3A_96 : memref<1x128xi32, #tpu.memory_space<vmem>> -> memref<128xi32, #tpu.memory_space<vmem>>
          %dma_start3A_98 = arith.constant 0 : i32
          %dma_start3A_99 = arith.constant 0 : i32
          %dma_start3A_100 = tpu.memref_slice %arg11[%dma_start3A_98, %dma_start3A_99] : memref<10240x128xf32, #tpu.memory_space<vmem_shared>> -> memref<10240x128xf32, #tpu.memory_space<vmem_shared>>
          tpu.enqueue_indirect_dma source(%arg10 : memref<128x128xf32, #tpu.memory_space<vmem>>) target(%dma_start3A_100 : memref<10240x128xf32, #tpu.memory_space<vmem_shared>>) offsets(%dma_start3A_97 : memref<128xi32, #tpu.memory_space<vmem>>) semaphore(%run_scoped3A : memref<!tpu.dma_semaphore, #tpu.memory_space<semaphore_mem>>) {add = true}
          %dma_wait3A_101 = arith.constant 0 : i32
          %dma_wait3A_102 = tpu.memref_slice %arg8[%add3A_94, %dma_wait3A_101] : memref<56x128xi32, #tpu.memory_space<vmem>> -> memref<1x128xi32, #tpu.memory_space<vmem>>
          %dma_wait3A_103 = tpu.memref_squeeze %dma_wait3A_102 : memref<1x128xi32, #tpu.memory_space<vmem>> -> memref<128xi32, #tpu.memory_space<vmem>>
          %dma_wait3A_104 = arith.constant 0 : i32
          %dma_wait3A_105 = arith.constant 0 : i32
          %dma_wait3A_106 = tpu.memref_slice %arg11[%dma_wait3A_104, %dma_wait3A_105] : memref<10240x128xf32, #tpu.memory_space<vmem_shared>> -> memref<10240x128xf32, #tpu.memory_space<vmem_shared>>
          tpu.wait_indirect_dma semaphore(%run_scoped3A : memref<!tpu.dma_semaphore, #tpu.memory_space<semaphore_mem>>) src(%arg10 : memref<128x128xf32, #tpu.memory_space<vmem>>) dst(%dma_wait3A_106 : memref<10240x128xf32, #tpu.memory_space<vmem_shared>>)
          tpu.yield
        }) : () -> ()
      }
    }
    %scan3A_10 = arith.constant 3 : i32
    %barrier3A_11 = arith.constant 0 : index
    tpu.barrier barrier_id(%barrier3A_11)
    %mul3A_12 = arith.constant 640 : i32
    %mul3A_13 = arith.muli %arg1, %mul3A_12 : i32
    %mul3A_14 = arith.constant 640 : i32
    %mul3A_15 = arith.muli %arg1, %mul3A_14 : i32
    "tpu.region"() ({
      %run_scoped3A = tpu.sem_alloc : memref<!tpu.dma_semaphore, #tpu.memory_space<semaphore_mem>>
      %dma_start3A = arith.constant 0 : i32
      %dma_start3A_16 = tpu.memref_slice %arg6[%arg0, %mul3A_15, %dma_start3A] : memref<2x10240x128xf32, #tpu.memory_space<hbm>> -> memref<1x640x128xf32, #tpu.memory_space<hbm>>
      %dma_start3A_17 = tpu.memref_squeeze %dma_start3A_16 : memref<1x640x128xf32, #tpu.memory_space<hbm>> -> memref<640x128xf32, #tpu.memory_space<hbm>>
      %dma_start3A_18 = arith.constant 0 : i32
      %dma_start3A_19 = tpu.memref_slice %arg11[%mul3A_13, %dma_start3A_18] : memref<10240x128xf32, #tpu.memory_space<vmem_shared>> -> memref<640x128xf32, #tpu.memory_space<vmem_shared>>
      tpu.enqueue_dma source(%dma_start3A_19 : memref<640x128xf32, #tpu.memory_space<vmem_shared>>) target(%dma_start3A_17 : memref<640x128xf32, #tpu.memory_space<hbm>>) target_semaphore(%run_scoped3A : memref<!tpu.dma_semaphore, #tpu.memory_space<semaphore_mem>>)
      %dma_wait3A = arith.constant 0 : i32
      %dma_wait3A_20 = tpu.memref_slice %arg6[%arg0, %mul3A_15, %dma_wait3A] : memref<2x10240x128xf32, #tpu.memory_space<hbm>> -> memref<1x640x128xf32, #tpu.memory_space<hbm>>
      %dma_wait3A_21 = tpu.memref_squeeze %dma_wait3A_20 : memref<1x640x128xf32, #tpu.memory_space<hbm>> -> memref<640x128xf32, #tpu.memory_space<hbm>>
      %dma_wait3A_22 = arith.constant 0 : i32
      %dma_wait3A_23 = tpu.memref_slice %arg11[%mul3A_13, %dma_wait3A_22] : memref<10240x128xf32, #tpu.memory_space<vmem_shared>> -> memref<640x128xf32, #tpu.memory_space<vmem_shared>>
      tpu.wait_dma2 semaphore(%run_scoped3A : memref<!tpu.dma_semaphore, #tpu.memory_space<semaphore_mem>>) src(%dma_wait3A_23 : memref<640x128xf32, #tpu.memory_space<vmem_shared>>) dst(%dma_wait3A_21 : memref<640x128xf32, #tpu.memory_space<hbm>>)
      tpu.yield
    }) : () -> ()
    return
  }
}

#map = affine_map<(d0, d1) -> (0, 0)>
#map1 = affine_map<(d0, d1) -> (0, 0, 0)>
module attributes {stable_mosaic.version = 14 : i64} {
  func.func @k(%arg0: i32, %arg1: i32, %arg2: memref<10240x128xf32, #tpu.memory_space<hbm>>, %arg3: memref<2688x128xi32, #tpu.memory_space<hbm>>, %arg4: memref<2688x128xi32, #tpu.memory_space<hbm>>, %arg5: memref<10240x128xf32, #tpu.memory_space<hbm>>, %arg6: memref<2x10240x128xf32, #tpu.memory_space<hbm>>, %arg7: memref<56x128xi32, #tpu.memory_space<vmem>>, %arg8: memref<56x128xi32, #tpu.memory_space<vmem>>, %arg9: memref<128x128xf32, #tpu.memory_space<vmem>>, %arg10: memref<128x128xf32, #tpu.memory_space<vmem>>, %arg11: memref<10240x128xf32, #tpu.memory_space<vmem_shared>>, %arg12: memref<!tpu.dma_semaphore, #tpu.memory_space<semaphore_mem>>, %arg13: memref<!tpu.dma_semaphore, #tpu.memory_space<semaphore_mem>>) attributes {dimension_semantics = [#tpu.dimension_semantics<core_parallel>, #tpu.dimension_semantics<subcore_parallel>], iteration_bounds = array<i64: 2, 16>, scalar_prefetch = 0 : i64, scratch_operands = 7 : i64, tpu.core_type = #tpu.core_type<sc_vector_subcore>, window_params = [{transform_indices = #map}, {transform_indices = #map}, {transform_indices = #map}, {transform_indices = #map}, {transform_indices = #map1}]} {
    %mul3A = arith.constant 160 : i32
    %mul3A_0 = arith.muli %arg1, %mul3A : i32
    %mul3A_1 = arith.constant 120 : i32
    %mul3A_2 = arith.muli %arg0, %mul3A_1 : i32
    %add3A = arith.addi %mul3A_0, %mul3A_2 : i32
    %mul3A_3 = arith.constant 640 : i32
    %mul3A_4 = arith.muli %arg1, %mul3A_3 : i32
    %mul3A_5 = arith.constant 640 : i32
    %mul3A_6 = arith.muli %arg1, %mul3A_5 : i32
    "tpu.region"() ({
      %run_scoped3A = tpu.sem_alloc : memref<!tpu.dma_semaphore, #tpu.memory_space<semaphore_mem>>
      %dma_start3A = arith.constant 0 : i32
      %dma_start3A_16 = tpu.memref_slice %arg11[%mul3A_6, %dma_start3A] : memref<10240x128xf32, #tpu.memory_space<vmem_shared>> -> memref<640x128xf32, #tpu.memory_space<vmem_shared>>
      %dma_start3A_17 = arith.constant 0 : i32
      %dma_start3A_18 = tpu.memref_slice %arg5[%mul3A_4, %dma_start3A_17] : memref<10240x128xf32, #tpu.memory_space<hbm>> -> memref<640x128xf32, #tpu.memory_space<hbm>>
      tpu.enqueue_dma source(%dma_start3A_18 : memref<640x128xf32, #tpu.memory_space<hbm>>) target(%dma_start3A_16 : memref<640x128xf32, #tpu.memory_space<vmem_shared>>) target_semaphore(%run_scoped3A : memref<!tpu.dma_semaphore, #tpu.memory_space<semaphore_mem>>)
      %dma_wait3A = arith.constant 0 : i32
      %dma_wait3A_19 = tpu.memref_slice %arg11[%mul3A_6, %dma_wait3A] : memref<10240x128xf32, #tpu.memory_space<vmem_shared>> -> memref<640x128xf32, #tpu.memory_space<vmem_shared>>
      %dma_wait3A_20 = arith.constant 0 : i32
      %dma_wait3A_21 = tpu.memref_slice %arg5[%mul3A_4, %dma_wait3A_20] : memref<10240x128xf32, #tpu.memory_space<hbm>> -> memref<640x128xf32, #tpu.memory_space<hbm>>
      tpu.wait_dma2 semaphore(%run_scoped3A : memref<!tpu.dma_semaphore, #tpu.memory_space<semaphore_mem>>) src(%dma_wait3A_21 : memref<640x128xf32, #tpu.memory_space<hbm>>) dst(%dma_wait3A_19 : memref<640x128xf32, #tpu.memory_space<vmem_shared>>)
      tpu.yield
    }) : () -> ()
    %barrier3A = arith.constant 0 : index
    tpu.barrier barrier_id(%barrier3A)
    %scan3A = arith.constant 0 : i32
    %scan3A_7 = arith.constant 3 : i32
    %scan3A_8 = arith.addi %scan3A, %scan3A_7 : i32
    %scan3A_9 = arith.constant 1 : i32
    scf.for %scan3A_16 = %scan3A to %scan3A_8 step %scan3A_9  : i32 {
      %mul3A_17 = arith.constant 1 : i32
      %mul3A_18 = arith.muli %scan3A_16, %mul3A_17 : i32
      %add3A_19 = arith.constant 0 : i32
      %add3A_20 = arith.addi %add3A_19, %mul3A_18 : i32
      %mul3A_21 = arith.constant 56 : i32
      %mul3A_22 = arith.muli %add3A_20, %mul3A_21 : i32
      %add3A_23 = arith.addi %add3A, %mul3A_22 : i32
      "tpu.region"() ({
        %run_scoped3A = tpu.sem_alloc : memref<!tpu.dma_semaphore, #tpu.memory_space<semaphore_mem>>
        %dma_start3A = arith.constant 0 : i32
        %dma_start3A_52 = tpu.memref_slice %arg3[%add3A_23, %dma_start3A] : memref<2688x128xi32, #tpu.memory_space<hbm>> -> memref<56x128xi32, #tpu.memory_space<hbm>>
        %dma_start3A_53 = arith.constant 0 : i32
        %dma_start3A_54 = tpu.memref_slice %arg3[%add3A_23, %dma_start3A_53] : memref<2688x128xi32, #tpu.memory_space<hbm>> -> memref<56x128xi32, #tpu.memory_space<hbm>>
        tpu.enqueue_dma source(%dma_start3A_54 : memref<56x128xi32, #tpu.memory_space<hbm>>) target(%arg7 : memref<56x128xi32, #tpu.memory_space<vmem>>) target_semaphore(%run_scoped3A : memref<!tpu.dma_semaphore, #tpu.memory_space<semaphore_mem>>)
        %dma_wait3A = arith.constant 0 : i32
        %dma_wait3A_55 = tpu.memref_slice %arg3[%add3A_23, %dma_wait3A] : memref<2688x128xi32, #tpu.memory_space<hbm>> -> memref<56x128xi32, #tpu.memory_space<hbm>>
        %dma_wait3A_56 = arith.constant 0 : i32
        %dma_wait3A_57 = tpu.memref_slice %arg3[%add3A_23, %dma_wait3A_56] : memref<2688x128xi32, #tpu.memory_space<hbm>> -> memref<56x128xi32, #tpu.memory_space<hbm>>
        tpu.wait_dma2 semaphore(%run_scoped3A : memref<!tpu.dma_semaphore, #tpu.memory_space<semaphore_mem>>) src(%dma_wait3A_57 : memref<56x128xi32, #tpu.memory_space<hbm>>) dst(%arg7 : memref<56x128xi32, #tpu.memory_space<vmem>>)
        tpu.yield
      }) : () -> ()
      %mul3A_24 = arith.constant 56 : i32
      %mul3A_25 = arith.muli %add3A_20, %mul3A_24 : i32
      %add3A_26 = arith.addi %add3A, %mul3A_25 : i32
      "tpu.region"() ({
        %run_scoped3A = tpu.sem_alloc : memref<!tpu.dma_semaphore, #tpu.memory_space<semaphore_mem>>
        %dma_start3A = arith.constant 0 : i32
        %dma_start3A_52 = tpu.memref_slice %arg4[%add3A_26, %dma_start3A] : memref<2688x128xi32, #tpu.memory_space<hbm>> -> memref<56x128xi32, #tpu.memory_space<hbm>>
        %dma_start3A_53 = arith.constant 0 : i32
        %dma_start3A_54 = tpu.memref_slice %arg4[%add3A_26, %dma_start3A_53] : memref<2688x128xi32, #tpu.memory_space<hbm>> -> memref<56x128xi32, #tpu.memory_space<hbm>>
        tpu.enqueue_dma source(%dma_start3A_54 : memref<56x128xi32, #tpu.memory_space<hbm>>) target(%arg8 : memref<56x128xi32, #tpu.memory_space<vmem>>) target_semaphore(%run_scoped3A : memref<!tpu.dma_semaphore, #tpu.memory_space<semaphore_mem>>)
        %dma_wait3A = arith.constant 0 : i32
        %dma_wait3A_55 = tpu.memref_slice %arg4[%add3A_26, %dma_wait3A] : memref<2688x128xi32, #tpu.memory_space<hbm>> -> memref<56x128xi32, #tpu.memory_space<hbm>>
        %dma_wait3A_56 = arith.constant 0 : i32
        %dma_wait3A_57 = tpu.memref_slice %arg4[%add3A_26, %dma_wait3A_56] : memref<2688x128xi32, #tpu.memory_space<hbm>> -> memref<56x128xi32, #tpu.memory_space<hbm>>
        tpu.wait_dma2 semaphore(%run_scoped3A : memref<!tpu.dma_semaphore, #tpu.memory_space<semaphore_mem>>) src(%dma_wait3A_57 : memref<56x128xi32, #tpu.memory_space<hbm>>) dst(%arg8 : memref<56x128xi32, #tpu.memory_space<vmem>>)
        tpu.yield
      }) : () -> ()
      %mul3A_27 = arith.constant 40 : i32
      %mul3A_28 = arith.muli %mul3A_27, %arg0 : i32
      %sub3A = arith.constant 60 : i32
      %sub3A_29 = arith.subi %sub3A, %mul3A_28 : i32
      %mul3A_30 = arith.constant 28 : i32
      %mul3A_31 = arith.muli %mul3A_30, %add3A_20 : i32
      %sub3A_32 = arith.subi %sub3A_29, %mul3A_31 : i32
      %max3A = arith.constant 0 : i32
      %max3A_33 = arith.maxsi %max3A, %sub3A_32 : i32
      %min3A = arith.constant 28 : i32
      %min3A_34 = arith.minsi %min3A, %max3A_33 : i32
      %sub3A_35 = arith.constant 0 : i32
      %sub3A_36 = arith.subi %min3A_34, %sub3A_35 : i32
      %sub3A_37 = arith.constant 1 : i32
      %sub3A_38 = arith.constant 1 : i32
      %sub3A_39 = arith.subi %sub3A_37, %sub3A_38 : i32
      %add3A_40 = arith.addi %sub3A_36, %sub3A_39 : i32
      %div3A = arith.constant 1 : i32
      %div3A_41 = arith.divsi %add3A_40, %div3A : i32
      %while3A = arith.constant 1 : i32
      %while3A_42 = arith.constant 0 : i32
      %while3A_43 = arith.constant 0 : i32
      %while3A_44 = arith.subi %div3A_41, %while3A_43 : i32
      %while3A_45 = arith.addi %while3A_43, %while3A_44 : i32
      %while3A_46 = arith.constant 1 : i32
      %while3A_47 = arith.divsi %while3A_44, %while3A_46 : i32
      %while3A_48 = arith.muli %while3A_47, %while3A_46 : i32
      %while3A_49 = arith.addi %while3A_43, %while3A_48 : i32
      %while3A_50 = arith.constant 1 : i32
      scf.for %while3A_52 = %while3A_43 to %while3A_49 step %while3A_50  : i32 {
        %mul3A_53 = arith.muli %while3A_52, %while3A : i32
        %add3A_54 = arith.addi %while3A_42, %mul3A_53 : i32
        %mul3A_55 = arith.constant 2 : i32
        %mul3A_56 = arith.muli %add3A_54, %mul3A_55 : i32
        %dma_start3A = arith.constant 0 : i32
        %dma_start3A_57 = tpu.memref_slice %arg7[%mul3A_56, %dma_start3A] : memref<56x128xi32, #tpu.memory_space<vmem>> -> memref<1x128xi32, #tpu.memory_space<vmem>>
        %dma_start3A_58 = tpu.memref_squeeze %dma_start3A_57 : memref<1x128xi32, #tpu.memory_space<vmem>> -> memref<128xi32, #tpu.memory_space<vmem>>
        %dma_start3A_59 = arith.constant 0 : i32
        %dma_start3A_60 = arith.constant 0 : i32
        %dma_start3A_61 = tpu.memref_slice %arg2[%dma_start3A_59, %dma_start3A_60] : memref<10240x128xf32, #tpu.memory_space<hbm>> -> memref<10240x128xf32, #tpu.memory_space<hbm>>
        tpu.enqueue_indirect_dma source(%dma_start3A_61 : memref<10240x128xf32, #tpu.memory_space<hbm>>) target(%arg9 : memref<128x128xf32, #tpu.memory_space<vmem>>) offsets(%dma_start3A_58 : memref<128xi32, #tpu.memory_space<vmem>>) semaphore(%arg12 : memref<!tpu.dma_semaphore, #tpu.memory_space<semaphore_mem>>)
        %dma_wait3A = arith.constant 0 : i32
        %dma_wait3A_62 = tpu.memref_slice %arg7[%mul3A_56, %dma_wait3A] : memref<56x128xi32, #tpu.memory_space<vmem>> -> memref<1x128xi32, #tpu.memory_space<vmem>>
        %dma_wait3A_63 = tpu.memref_squeeze %dma_wait3A_62 : memref<1x128xi32, #tpu.memory_space<vmem>> -> memref<128xi32, #tpu.memory_space<vmem>>
        %dma_wait3A_64 = arith.constant 0 : i32
        %dma_wait3A_65 = arith.constant 0 : i32
        %dma_wait3A_66 = tpu.memref_slice %arg2[%dma_wait3A_64, %dma_wait3A_65] : memref<10240x128xf32, #tpu.memory_space<hbm>> -> memref<10240x128xf32, #tpu.memory_space<hbm>>
        tpu.wait_indirect_dma semaphore(%arg12 : memref<!tpu.dma_semaphore, #tpu.memory_space<semaphore_mem>>) src(%dma_wait3A_66 : memref<10240x128xf32, #tpu.memory_space<hbm>>) dst(%arg9 : memref<128x128xf32, #tpu.memory_space<vmem>>)
        %dma_start3A_67 = arith.constant 0 : i32
        %dma_start3A_68 = tpu.memref_slice %arg8[%mul3A_56, %dma_start3A_67] : memref<56x128xi32, #tpu.memory_space<vmem>> -> memref<1x128xi32, #tpu.memory_space<vmem>>
        %dma_start3A_69 = tpu.memref_squeeze %dma_start3A_68 : memref<1x128xi32, #tpu.memory_space<vmem>> -> memref<128xi32, #tpu.memory_space<vmem>>
        %dma_start3A_70 = arith.constant 0 : i32
        %dma_start3A_71 = arith.constant 0 : i32
        %dma_start3A_72 = tpu.memref_slice %arg11[%dma_start3A_70, %dma_start3A_71] : memref<10240x128xf32, #tpu.memory_space<vmem_shared>> -> memref<10240x128xf32, #tpu.memory_space<vmem_shared>>
        tpu.enqueue_indirect_dma source(%arg9 : memref<128x128xf32, #tpu.memory_space<vmem>>) target(%dma_start3A_72 : memref<10240x128xf32, #tpu.memory_space<vmem_shared>>) offsets(%dma_start3A_69 : memref<128xi32, #tpu.memory_space<vmem>>) semaphore(%arg13 : memref<!tpu.dma_semaphore, #tpu.memory_space<semaphore_mem>>) {add = true}
        %add3A_73 = arith.constant 1 : i32
        %add3A_74 = arith.addi %mul3A_56, %add3A_73 : i32
        %dma_start3A_75 = arith.constant 0 : i32
        %dma_start3A_76 = tpu.memref_slice %arg7[%add3A_74, %dma_start3A_75] : memref<56x128xi32, #tpu.memory_space<vmem>> -> memref<1x128xi32, #tpu.memory_space<vmem>>
        %dma_start3A_77 = tpu.memref_squeeze %dma_start3A_76 : memref<1x128xi32, #tpu.memory_space<vmem>> -> memref<128xi32, #tpu.memory_space<vmem>>
        %dma_start3A_78 = arith.constant 0 : i32
        %dma_start3A_79 = arith.constant 0 : i32
        %dma_start3A_80 = tpu.memref_slice %arg2[%dma_start3A_78, %dma_start3A_79] : memref<10240x128xf32, #tpu.memory_space<hbm>> -> memref<10240x128xf32, #tpu.memory_space<hbm>>
        tpu.enqueue_indirect_dma source(%dma_start3A_80 : memref<10240x128xf32, #tpu.memory_space<hbm>>) target(%arg10 : memref<128x128xf32, #tpu.memory_space<vmem>>) offsets(%dma_start3A_77 : memref<128xi32, #tpu.memory_space<vmem>>) semaphore(%arg12 : memref<!tpu.dma_semaphore, #tpu.memory_space<semaphore_mem>>)
        %dma_wait3A_81 = arith.constant 0 : i32
        %dma_wait3A_82 = tpu.memref_slice %arg7[%add3A_74, %dma_wait3A_81] : memref<56x128xi32, #tpu.memory_space<vmem>> -> memref<1x128xi32, #tpu.memory_space<vmem>>
        %dma_wait3A_83 = tpu.memref_squeeze %dma_wait3A_82 : memref<1x128xi32, #tpu.memory_space<vmem>> -> memref<128xi32, #tpu.memory_space<vmem>>
        %dma_wait3A_84 = arith.constant 0 : i32
        %dma_wait3A_85 = arith.constant 0 : i32
        %dma_wait3A_86 = tpu.memref_slice %arg2[%dma_wait3A_84, %dma_wait3A_85] : memref<10240x128xf32, #tpu.memory_space<hbm>> -> memref<10240x128xf32, #tpu.memory_space<hbm>>
        tpu.wait_indirect_dma semaphore(%arg12 : memref<!tpu.dma_semaphore, #tpu.memory_space<semaphore_mem>>) src(%dma_wait3A_86 : memref<10240x128xf32, #tpu.memory_space<hbm>>) dst(%arg10 : memref<128x128xf32, #tpu.memory_space<vmem>>)
        %dma_wait3A_87 = arith.constant 0 : i32
        %dma_wait3A_88 = tpu.memref_slice %arg8[%mul3A_56, %dma_wait3A_87] : memref<56x128xi32, #tpu.memory_space<vmem>> -> memref<1x128xi32, #tpu.memory_space<vmem>>
        %dma_wait3A_89 = tpu.memref_squeeze %dma_wait3A_88 : memref<1x128xi32, #tpu.memory_space<vmem>> -> memref<128xi32, #tpu.memory_space<vmem>>
        %dma_wait3A_90 = arith.constant 0 : i32
        %dma_wait3A_91 = arith.constant 0 : i32
        %dma_wait3A_92 = tpu.memref_slice %arg11[%dma_wait3A_90, %dma_wait3A_91] : memref<10240x128xf32, #tpu.memory_space<vmem_shared>> -> memref<10240x128xf32, #tpu.memory_space<vmem_shared>>
        tpu.wait_indirect_dma semaphore(%arg13 : memref<!tpu.dma_semaphore, #tpu.memory_space<semaphore_mem>>) src(%arg9 : memref<128x128xf32, #tpu.memory_space<vmem>>) dst(%dma_wait3A_92 : memref<10240x128xf32, #tpu.memory_space<vmem_shared>>)
        %add3A_93 = arith.constant 1 : i32
        %add3A_94 = arith.addi %mul3A_56, %add3A_93 : i32
        "tpu.region"() ({
          %run_scoped3A = tpu.sem_alloc : memref<!tpu.dma_semaphore, #tpu.memory_space<semaphore_mem>>
          %dma_start3A_95 = arith.constant 0 : i32
          %dma_start3A_96 = tpu.memref_slice %arg8[%add3A_94, %dma_start3A_95] : memref<56x128xi32, #tpu.memory_space<vmem>> -> memref<1x128xi32, #tpu.memory_space<vmem>>
          %dma_start3A_97 = tpu.memref_squeeze %dma_start3A_96 : memref<1x128xi32, #tpu.memory_space<vmem>> -> memref<128xi32, #tpu.memory_space<vmem>>
          %dma_start3A_98 = arith.constant 0 : i32
          %dma_start3A_99 = arith.constant 0 : i32
          %dma_start3A_100 = tpu.memref_slice %arg11[%dma_start3A_98, %dma_start3A_99] : memref<10240x128xf32, #tpu.memory_space<vmem_shared>> -> memref<10240x128xf32, #tpu.memory_space<vmem_shared>>
          tpu.enqueue_indirect_dma source(%arg10 : memref<128x128xf32, #tpu.memory_space<vmem>>) target(%dma_start3A_100 : memref<10240x128xf32, #tpu.memory_space<vmem_shared>>) offsets(%dma_start3A_97 : memref<128xi32, #tpu.memory_space<vmem>>) semaphore(%run_scoped3A : memref<!tpu.dma_semaphore, #tpu.memory_space<semaphore_mem>>) {add = true}
          %dma_wait3A_101 = arith.constant 0 : i32
          %dma_wait3A_102 = tpu.memref_slice %arg8[%add3A_94, %dma_wait3A_101] : memref<56x128xi32, #tpu.memory_space<vmem>> -> memref<1x128xi32, #tpu.memory_space<vmem>>
          %dma_wait3A_103 = tpu.memref_squeeze %dma_wait3A_102 : memref<1x128xi32, #tpu.memory_space<vmem>> -> memref<128xi32, #tpu.memory_space<vmem>>
          %dma_wait3A_104 = arith.constant 0 : i32
          %dma_wait3A_105 = arith.constant 0 : i32
          %dma_wait3A_106 = tpu.memref_slice %arg11[%dma_wait3A_104, %dma_wait3A_105] : memref<10240x128xf32, #tpu.memory_space<vmem_shared>> -> memref<10240x128xf32, #tpu.memory_space<vmem_shared>>
          tpu.wait_indirect_dma semaphore(%run_scoped3A : memref<!tpu.dma_semaphore, #tpu.memory_space<semaphore_mem>>) src(%arg10 : memref<128x128xf32, #tpu.memory_space<vmem>>) dst(%dma_wait3A_106 : memref<10240x128xf32, #tpu.memory_space<vmem_shared>>)
          tpu.yield
        }) : () -> ()
      }
      %while3A_51 = arith.constant 1 : i32
      scf.for %while3A_52 = %while3A_49 to %while3A_45 step %while3A_51  : i32 {
        %mul3A_53 = arith.muli %while3A_52, %while3A : i32
        %add3A_54 = arith.addi %while3A_42, %mul3A_53 : i32
        %mul3A_55 = arith.constant 2 : i32
        %mul3A_56 = arith.muli %add3A_54, %mul3A_55 : i32
        %dma_start3A = arith.constant 0 : i32
        %dma_start3A_57 = tpu.memref_slice %arg7[%mul3A_56, %dma_start3A] : memref<56x128xi32, #tpu.memory_space<vmem>> -> memref<1x128xi32, #tpu.memory_space<vmem>>
        %dma_start3A_58 = tpu.memref_squeeze %dma_start3A_57 : memref<1x128xi32, #tpu.memory_space<vmem>> -> memref<128xi32, #tpu.memory_space<vmem>>
        %dma_start3A_59 = arith.constant 0 : i32
        %dma_start3A_60 = arith.constant 0 : i32
        %dma_start3A_61 = tpu.memref_slice %arg2[%dma_start3A_59, %dma_start3A_60] : memref<10240x128xf32, #tpu.memory_space<hbm>> -> memref<10240x128xf32, #tpu.memory_space<hbm>>
        tpu.enqueue_indirect_dma source(%dma_start3A_61 : memref<10240x128xf32, #tpu.memory_space<hbm>>) target(%arg9 : memref<128x128xf32, #tpu.memory_space<vmem>>) offsets(%dma_start3A_58 : memref<128xi32, #tpu.memory_space<vmem>>) semaphore(%arg12 : memref<!tpu.dma_semaphore, #tpu.memory_space<semaphore_mem>>)
        %dma_wait3A = arith.constant 0 : i32
        %dma_wait3A_62 = tpu.memref_slice %arg7[%mul3A_56, %dma_wait3A] : memref<56x128xi32, #tpu.memory_space<vmem>> -> memref<1x128xi32, #tpu.memory_space<vmem>>
        %dma_wait3A_63 = tpu.memref_squeeze %dma_wait3A_62 : memref<1x128xi32, #tpu.memory_space<vmem>> -> memref<128xi32, #tpu.memory_space<vmem>>
        %dma_wait3A_64 = arith.constant 0 : i32
        %dma_wait3A_65 = arith.constant 0 : i32
        %dma_wait3A_66 = tpu.memref_slice %arg2[%dma_wait3A_64, %dma_wait3A_65] : memref<10240x128xf32, #tpu.memory_space<hbm>> -> memref<10240x128xf32, #tpu.memory_space<hbm>>
        tpu.wait_indirect_dma semaphore(%arg12 : memref<!tpu.dma_semaphore, #tpu.memory_space<semaphore_mem>>) src(%dma_wait3A_66 : memref<10240x128xf32, #tpu.memory_space<hbm>>) dst(%arg9 : memref<128x128xf32, #tpu.memory_space<vmem>>)
        %dma_start3A_67 = arith.constant 0 : i32
        %dma_start3A_68 = tpu.memref_slice %arg8[%mul3A_56, %dma_start3A_67] : memref<56x128xi32, #tpu.memory_space<vmem>> -> memref<1x128xi32, #tpu.memory_space<vmem>>
        %dma_start3A_69 = tpu.memref_squeeze %dma_start3A_68 : memref<1x128xi32, #tpu.memory_space<vmem>> -> memref<128xi32, #tpu.memory_space<vmem>>
        %dma_start3A_70 = arith.constant 0 : i32
        %dma_start3A_71 = arith.constant 0 : i32
        %dma_start3A_72 = tpu.memref_slice %arg11[%dma_start3A_70, %dma_start3A_71] : memref<10240x128xf32, #tpu.memory_space<vmem_shared>> -> memref<10240x128xf32, #tpu.memory_space<vmem_shared>>
        tpu.enqueue_indirect_dma source(%arg9 : memref<128x128xf32, #tpu.memory_space<vmem>>) target(%dma_start3A_72 : memref<10240x128xf32, #tpu.memory_space<vmem_shared>>) offsets(%dma_start3A_69 : memref<128xi32, #tpu.memory_space<vmem>>) semaphore(%arg13 : memref<!tpu.dma_semaphore, #tpu.memory_space<semaphore_mem>>) {add = true}
        %add3A_73 = arith.constant 1 : i32
        %add3A_74 = arith.addi %mul3A_56, %add3A_73 : i32
        %dma_start3A_75 = arith.constant 0 : i32
        %dma_start3A_76 = tpu.memref_slice %arg7[%add3A_74, %dma_start3A_75] : memref<56x128xi32, #tpu.memory_space<vmem>> -> memref<1x128xi32, #tpu.memory_space<vmem>>
        %dma_start3A_77 = tpu.memref_squeeze %dma_start3A_76 : memref<1x128xi32, #tpu.memory_space<vmem>> -> memref<128xi32, #tpu.memory_space<vmem>>
        %dma_start3A_78 = arith.constant 0 : i32
        %dma_start3A_79 = arith.constant 0 : i32
        %dma_start3A_80 = tpu.memref_slice %arg2[%dma_start3A_78, %dma_start3A_79] : memref<10240x128xf32, #tpu.memory_space<hbm>> -> memref<10240x128xf32, #tpu.memory_space<hbm>>
        tpu.enqueue_indirect_dma source(%dma_start3A_80 : memref<10240x128xf32, #tpu.memory_space<hbm>>) target(%arg10 : memref<128x128xf32, #tpu.memory_space<vmem>>) offsets(%dma_start3A_77 : memref<128xi32, #tpu.memory_space<vmem>>) semaphore(%arg12 : memref<!tpu.dma_semaphore, #tpu.memory_space<semaphore_mem>>)
        %dma_wait3A_81 = arith.constant 0 : i32
        %dma_wait3A_82 = tpu.memref_slice %arg7[%add3A_74, %dma_wait3A_81] : memref<56x128xi32, #tpu.memory_space<vmem>> -> memref<1x128xi32, #tpu.memory_space<vmem>>
        %dma_wait3A_83 = tpu.memref_squeeze %dma_wait3A_82 : memref<1x128xi32, #tpu.memory_space<vmem>> -> memref<128xi32, #tpu.memory_space<vmem>>
        %dma_wait3A_84 = arith.constant 0 : i32
        %dma_wait3A_85 = arith.constant 0 : i32
        %dma_wait3A_86 = tpu.memref_slice %arg2[%dma_wait3A_84, %dma_wait3A_85] : memref<10240x128xf32, #tpu.memory_space<hbm>> -> memref<10240x128xf32, #tpu.memory_space<hbm>>
        tpu.wait_indirect_dma semaphore(%arg12 : memref<!tpu.dma_semaphore, #tpu.memory_space<semaphore_mem>>) src(%dma_wait3A_86 : memref<10240x128xf32, #tpu.memory_space<hbm>>) dst(%arg10 : memref<128x128xf32, #tpu.memory_space<vmem>>)
        %dma_wait3A_87 = arith.constant 0 : i32
        %dma_wait3A_88 = tpu.memref_slice %arg8[%mul3A_56, %dma_wait3A_87] : memref<56x128xi32, #tpu.memory_space<vmem>> -> memref<1x128xi32, #tpu.memory_space<vmem>>
        %dma_wait3A_89 = tpu.memref_squeeze %dma_wait3A_88 : memref<1x128xi32, #tpu.memory_space<vmem>> -> memref<128xi32, #tpu.memory_space<vmem>>
        %dma_wait3A_90 = arith.constant 0 : i32
        %dma_wait3A_91 = arith.constant 0 : i32
        %dma_wait3A_92 = tpu.memref_slice %arg11[%dma_wait3A_90, %dma_wait3A_91] : memref<10240x128xf32, #tpu.memory_space<vmem_shared>> -> memref<10240x128xf32, #tpu.memory_space<vmem_shared>>
        tpu.wait_indirect_dma semaphore(%arg13 : memref<!tpu.dma_semaphore, #tpu.memory_space<semaphore_mem>>) src(%arg9 : memref<128x128xf32, #tpu.memory_space<vmem>>) dst(%dma_wait3A_92 : memref<10240x128xf32, #tpu.memory_space<vmem_shared>>)
        %add3A_93 = arith.constant 1 : i32
        %add3A_94 = arith.addi %mul3A_56, %add3A_93 : i32
        "tpu.region"() ({
          %run_scoped3A = tpu.sem_alloc : memref<!tpu.dma_semaphore, #tpu.memory_space<semaphore_mem>>
          %dma_start3A_95 = arith.constant 0 : i32
          %dma_start3A_96 = tpu.memref_slice %arg8[%add3A_94, %dma_start3A_95] : memref<56x128xi32, #tpu.memory_space<vmem>> -> memref<1x128xi32, #tpu.memory_space<vmem>>
          %dma_start3A_97 = tpu.memref_squeeze %dma_start3A_96 : memref<1x128xi32, #tpu.memory_space<vmem>> -> memref<128xi32, #tpu.memory_space<vmem>>
          %dma_start3A_98 = arith.constant 0 : i32
          %dma_start3A_99 = arith.constant 0 : i32
          %dma_start3A_100 = tpu.memref_slice %arg11[%dma_start3A_98, %dma_start3A_99] : memref<10240x128xf32, #tpu.memory_space<vmem_shared>> -> memref<10240x128xf32, #tpu.memory_space<vmem_shared>>
          tpu.enqueue_indirect_dma source(%arg10 : memref<128x128xf32, #tpu.memory_space<vmem>>) target(%dma_start3A_100 : memref<10240x128xf32, #tpu.memory_space<vmem_shared>>) offsets(%dma_start3A_97 : memref<128xi32, #tpu.memory_space<vmem>>) semaphore(%run_scoped3A : memref<!tpu.dma_semaphore, #tpu.memory_space<semaphore_mem>>) {add = true}
          %dma_wait3A_101 = arith.constant 0 : i32
          %dma_wait3A_102 = tpu.memref_slice %arg8[%add3A_94, %dma_wait3A_101] : memref<56x128xi32, #tpu.memory_space<vmem>> -> memref<1x128xi32, #tpu.memory_space<vmem>>
          %dma_wait3A_103 = tpu.memref_squeeze %dma_wait3A_102 : memref<1x128xi32, #tpu.memory_space<vmem>> -> memref<128xi32, #tpu.memory_space<vmem>>
          %dma_wait3A_104 = arith.constant 0 : i32
          %dma_wait3A_105 = arith.constant 0 : i32
          %dma_wait3A_106 = tpu.memref_slice %arg11[%dma_wait3A_104, %dma_wait3A_105] : memref<10240x128xf32, #tpu.memory_space<vmem_shared>> -> memref<10240x128xf32, #tpu.memory_space<vmem_shared>>
          tpu.wait_indirect_dma semaphore(%run_scoped3A : memref<!tpu.dma_semaphore, #tpu.memory_space<semaphore_mem>>) src(%arg10 : memref<128x128xf32, #tpu.memory_space<vmem>>) dst(%dma_wait3A_106 : memref<10240x128xf32, #tpu.memory_space<vmem_shared>>)
          tpu.yield
        }) : () -> ()
      }
    }
    %scan3A_10 = arith.constant 3 : i32
    %barrier3A_11 = arith.constant 0 : index
    tpu.barrier barrier_id(%barrier3A_11)
    %mul3A_12 = arith.constant 640 : i32
    %mul3A_13 = arith.muli %arg1, %mul3A_12 : i32
    %mul3A_14 = arith.constant 640 : i32
    %mul3A_15 = arith.muli %arg1, %mul3A_14 : i32
    "tpu.region"() ({
      %run_scoped3A = tpu.sem_alloc : memref<!tpu.dma_semaphore, #tpu.memory_space<semaphore_mem>>
      %dma_start3A = arith.constant 0 : i32
      %dma_start3A_16 = tpu.memref_slice %arg6[%arg0, %mul3A_15, %dma_start3A] : memref<2x10240x128xf32, #tpu.memory_space<hbm>> -> memref<1x640x128xf32, #tpu.memory_space<hbm>>
      %dma_start3A_17 = tpu.memref_squeeze %dma_start3A_16 : memref<1x640x128xf32, #tpu.memory_space<hbm>> -> memref<640x128xf32, #tpu.memory_space<hbm>>
      %dma_start3A_18 = arith.constant 0 : i32
      %dma_start3A_19 = tpu.memref_slice %arg11[%mul3A_13, %dma_start3A_18] : memref<10240x128xf32, #tpu.memory_space<vmem_shared>> -> memref<640x128xf32, #tpu.memory_space<vmem_shared>>
      tpu.enqueue_dma source(%dma_start3A_19 : memref<640x128xf32, #tpu.memory_space<vmem_shared>>) target(%dma_start3A_17 : memref<640x128xf32, #tpu.memory_space<hbm>>) target_semaphore(%run_scoped3A : memref<!tpu.dma_semaphore, #tpu.memory_space<semaphore_mem>>)
      %dma_wait3A = arith.constant 0 : i32
      %dma_wait3A_20 = tpu.memref_slice %arg6[%arg0, %mul3A_15, %dma_wait3A] : memref<2x10240x128xf32, #tpu.memory_space<hbm>> -> memref<1x640x128xf32, #tpu.memory_space<hbm>>
      %dma_wait3A_21 = tpu.memref_squeeze %dma_wait3A_20 : memref<1x640x128xf32, #tpu.memory_space<hbm>> -> memref<640x128xf32, #tpu.memory_space<hbm>>
      %dma_wait3A_22 = arith.constant 0 : i32
      %dma_wait3A_23 = tpu.memref_slice %arg11[%mul3A_13, %dma_wait3A_22] : memref<10240x128xf32, #tpu.memory_space<vmem_shared>> -> memref<640x128xf32, #tpu.memory_space<vmem_shared>>
      tpu.wait_dma2 semaphore(%run_scoped3A : memref<!tpu.dma_semaphore, #tpu.memory_space<semaphore_mem>>) src(%dma_wait3A_23 : memref<640x128xf32, #tpu.memory_space<vmem_shared>>) dst(%dma_wait3A_21 : memref<640x128xf32, #tpu.memory_space<hbm>>)
      tpu.yield
    }) : () -> ()
    return
  }
}

module attributes {stable_mosaic.version = 14 : i64} {
  func.func @body(%arg0: i32, %arg1: memref<2x1024x128xf32, #tpu.memory_space<vmem>>, %arg2: memref<1024x128xf32, #tpu.memory_space<vmem>>, %arg3: memref<128x128xf32, #tpu.memory_space<vmem>>, %arg4: memref<1024x128xf32, #tpu.memory_space<vmem>>, %arg5: memref<1024x128xf32, #tpu.memory_space<vmem>>) attributes {dimension_semantics = [#tpu.dimension_semantics<arbitrary>], iteration_bounds = array<i64: 10>, scalar_prefetch = 0 : i64, scratch_operands = 0 : i64, tpu.core_type = #tpu.core_type<tc>, window_params = [{transform_indices = @transform_0, window_bounds = array<i64: 2, 1024, 128>}, {transform_indices = @transform_1, window_bounds = array<i64: 1024, 128>}, {pipeline_mode = #tpu.pipeline_mode<synchronous>, transform_indices = @transform_2, window_bounds = array<i64: 128, 128>}, {transform_indices = @transform_3, window_bounds = array<i64: 1024, 128>}, {transform_indices = @transform_4, window_bounds = array<i64: 1024, 128>}]} {
    %get3A = arith.constant 0 : index
    %get3A_0 = arith.constant 0 : index
    %get3A_1 = arith.constant 0 : index
    %get3A_2 = vector.load %arg1[%get3A, %get3A_0, %get3A_1] : memref<2x1024x128xf32, #tpu.memory_space<vmem>>, vector<1x1024x128xf32>
    %get3A_3 = vector.shape_cast %get3A_2 : vector<1x1024x128xf32> to vector<1024x128xf32>
    %get3A_4 = arith.constant 1 : index
    %get3A_5 = arith.constant 0 : index
    %get3A_6 = arith.constant 0 : index
    %get3A_7 = vector.load %arg1[%get3A_4, %get3A_5, %get3A_6] : memref<2x1024x128xf32, #tpu.memory_space<vmem>>, vector<1x1024x128xf32>
    %get3A_8 = vector.shape_cast %get3A_7 : vector<1x1024x128xf32> to vector<1024x128xf32>
    %add3A = arith.addf %get3A_3, %get3A_8 : vector<1024x128xf32>
    %slice3A = vector.extract_strided_slice %add3A {offsets = [0, 0], sizes = [1024, 1], strides = [1, 1]} : vector<1024x128xf32> to vector<1024x1xf32>
    %add3A_9 = arith.constant 1.000000e+00 : f32
    %add3A_10 = vector.broadcast %add3A_9 : f32 to vector<1024x1xf32>
    %add3A_11 = arith.addf %slice3A, %add3A_10 : vector<1024x1xf32>
    %mul3A = arith.constant 1024 : i32
    %mul3A_12 = arith.muli %arg0, %mul3A : i32
    %iota3A = tpu.iota {dimensions = array<i32: 0>} : vector<1024x1xi32>
    %add3A_13 = vector.broadcast %mul3A_12 : i32 to vector<1024x1xi32>
    %add3A_14 = arith.addi %add3A_13, %iota3A : vector<1024x1xi32>
    %lt3A = arith.constant 10000 : i32
    %lt3A_15 = vector.broadcast %lt3A : i32 to vector<1024x1xi32>
    %lt3A_16 = arith.cmpi slt, %add3A_14, %lt3A_15 : vector<1024x1xi32>
    %rsqrt3A = math.rsqrt %add3A_11 : vector<1024x1xf32>
    %jit3A = arith.constant 0.000000e+00 : f32
    %broadcast_in_dim3A = vector.broadcast %jit3A : f32 to vector<1024x1xf32>
    %select_n3A = arith.select %lt3A_16, %rsqrt3A, %broadcast_in_dim3A : vector<1024x1xi1>, vector<1024x1xf32>
    %broadcast_in_dim3A_17 = vector.shape_cast %select_n3A : vector<1024x1xf32> to vector<1024x1xf32>
    %broadcast_in_dim3A_18 = vector.broadcast %broadcast_in_dim3A_17 : vector<1024x1xf32> to vector<1024x128xf32>
    %swap3A = arith.constant 0 : index
    %swap3A_19 = arith.constant 0 : index
    %swap3A_20 = vector.load %arg5[%swap3A, %swap3A_19] : memref<1024x128xf32, #tpu.memory_space<vmem>>, vector<1024x128xf32>
    tpu.vector_store %arg5[%swap3A, %swap3A_19], %broadcast_in_dim3A_18 {strides = array<i32>} : memref<1024x128xf32, #tpu.memory_space<vmem>>, vector<1024x128xf32>,
    %get3A_21 = arith.constant 0 : index
    %get3A_22 = arith.constant 0 : index
    %get3A_23 = vector.load %arg2[%get3A_21, %get3A_22] : memref<1024x128xf32, #tpu.memory_space<vmem>>, vector<1024x128xf32>
    %get3A_24 = arith.constant 0 : index
    %get3A_25 = arith.constant 0 : index
    %get3A_26 = vector.load %arg3[%get3A_24, %get3A_25] : memref<128x128xf32, #tpu.memory_space<vmem>>, vector<128x128xf32>
    %dot_general3A = arith.constant dense<0.000000e+00> : vector<1024x128xf32>
    %dot_general3A_27 = tpu.matmul %get3A_23, %get3A_26, %dot_general3A {dimension_numbers = #tpu.dot_dimension_numbers<[1], [0], [0], [1], [0, 0, 1, 1], [], []>, transpose_lhs_hint = false} : vector<1024x128xf32>, vector<128x128xf32>, vector<1024x128xf32> -> vector<1024x128xf32>
    %mul3A_28 = arith.mulf %broadcast_in_dim3A_18, %dot_general3A_27 : vector<1024x128xf32>
    %swap3A_29 = arith.constant 0 : index
    %swap3A_30 = arith.constant 0 : index
    %swap3A_31 = vector.load %arg4[%swap3A_29, %swap3A_30] : memref<1024x128xf32, #tpu.memory_space<vmem>>, vector<1024x128xf32>
    tpu.vector_store %arg4[%swap3A_29, %swap3A_30], %mul3A_28 {strides = array<i32>} : memref<1024x128xf32, #tpu.memory_space<vmem>>, vector<1024x128xf32>,
    return
  }
  func.func @transform_0(%arg0: i32) -> (i32, i32, i32) {
    %c0_i32 = arith.constant 0 : i32
    %c0_i32_0 = arith.constant 0 : i32
    %c0_i32_1 = arith.constant 0 : i32
    return %c0_i32, %arg0, %c0_i32_0 : i32, i32, i32
  }
  func.func @transform_1(%arg0: i32) -> (i32, i32) {
    %c0_i32 = arith.constant 0 : i32
    %c0_i32_0 = arith.constant 0 : i32
    return %arg0, %c0_i32 : i32, i32
  }
  func.func @transform_2(%arg0: i32) -> (i32, i32) {
    %c0_i32 = arith.constant 0 : i32
    %c0_i32_0 = arith.constant 0 : i32
    %c0_i32_1 = arith.constant 0 : i32
    return %c0_i32, %c0_i32_0 : i32, i32
  }
  func.func @transform_3(%arg0: i32) -> (i32, i32) {
    %c0_i32 = arith.constant 0 : i32
    %c0_i32_0 = arith.constant 0 : i32
    return %arg0, %c0_i32 : i32, i32
  }
  func.func @transform_4(%arg0: i32) -> (i32, i32) {
    %c0_i32 = arith.constant 0 : i32
    %c0_i32_0 = arith.constant 0 : i32
    return %arg0, %c0_i32 : i32, i32
  }
}

module attributes {stable_mosaic.version = 14 : i64} {
  func.func @body(%arg0: i32, %arg1: memref<2x1024x128xf32, #tpu.memory_space<vmem>>, %arg2: memref<1024x128xf32, #tpu.memory_space<vmem>>, %arg3: memref<1024x128xf32, #tpu.memory_space<vmem>>, %arg4: memref<1x128xf32, #tpu.memory_space<vmem>>, %arg5: memref<1024x128xf32, #tpu.memory_space<vmem>>) attributes {dimension_semantics = [#tpu.dimension_semantics<arbitrary>], iteration_bounds = array<i64: 10>, scalar_prefetch = 0 : i64, scratch_operands = 0 : i64, tpu.core_type = #tpu.core_type<tc>, window_params = [{transform_indices = @transform_0, window_bounds = array<i64: 2, 1024, 128>}, {transform_indices = @transform_1, window_bounds = array<i64: 1024, 128>}, {transform_indices = @transform_2, window_bounds = array<i64: 1024, 128>}, {pipeline_mode = #tpu.pipeline_mode<synchronous>, transform_indices = @transform_3, window_bounds = array<i64: 1, 128>}, {transform_indices = @transform_4, window_bounds = array<i64: 1024, 128>}]} {
    %get3A = arith.constant 0 : index
    %get3A_0 = arith.constant 0 : index
    %get3A_1 = arith.constant 0 : index
    %get3A_2 = vector.load %arg1[%get3A, %get3A_0, %get3A_1] : memref<2x1024x128xf32, #tpu.memory_space<vmem>>, vector<1x1024x128xf32>
    %get3A_3 = vector.shape_cast %get3A_2 : vector<1x1024x128xf32> to vector<1024x128xf32>
    %get3A_4 = arith.constant 1 : index
    %get3A_5 = arith.constant 0 : index
    %get3A_6 = arith.constant 0 : index
    %get3A_7 = vector.load %arg1[%get3A_4, %get3A_5, %get3A_6] : memref<2x1024x128xf32, #tpu.memory_space<vmem>>, vector<1x1024x128xf32>
    %get3A_8 = vector.shape_cast %get3A_7 : vector<1x1024x128xf32> to vector<1024x128xf32>
    %add3A = arith.addf %get3A_3, %get3A_8 : vector<1024x128xf32>
    %get3A_9 = arith.constant 0 : index
    %get3A_10 = arith.constant 0 : index
    %get3A_11 = vector.load %arg2[%get3A_9, %get3A_10] : memref<1024x128xf32, #tpu.memory_space<vmem>>, vector<1024x128xf32>
    %add3A_12 = arith.addf %add3A, %get3A_11 : vector<1024x128xf32>
    %get3A_13 = arith.constant 0 : index
    %get3A_14 = arith.constant 0 : index
    %get3A_15 = vector.load %arg3[%get3A_13, %get3A_14] : memref<1024x128xf32, #tpu.memory_space<vmem>>, vector<1024x128xf32>
    %mul3A = arith.mulf %get3A_15, %add3A_12 : vector<1024x128xf32>
    %get3A_16 = arith.constant 0 : index
    %get3A_17 = arith.constant 0 : index
    %get3A_18 = vector.load %arg4[%get3A_16, %get3A_17] : memref<1x128xf32, #tpu.memory_space<vmem>>, vector<1x128xf32>
    %add3A_19 = vector.broadcast %get3A_18 : vector<1x128xf32> to vector<1024x128xf32>
    %add3A_20 = arith.addf %mul3A, %add3A_19 : vector<1024x128xf32>
    %max3A = arith.constant 0.000000e+00 : f32
    %max3A_21 = vector.broadcast %max3A : f32 to vector<1024x128xf32>
    %max3A_22 = arith.maximumf %add3A_20, %max3A_21 : vector<1024x128xf32>
    %get3A_23 = arith.constant 0 : index
    %get3A_24 = arith.constant 0 : index
    %get3A_25 = vector.load %arg3[%get3A_23, %get3A_24] : memref<1024x128xf32, #tpu.memory_space<vmem>>, vector<1024x128xf32>
    %mul3A_26 = arith.mulf %get3A_25, %max3A_22 : vector<1024x128xf32>
    %swap3A = arith.constant 0 : index
    %swap3A_27 = arith.constant 0 : index
    %swap3A_28 = vector.load %arg5[%swap3A, %swap3A_27] : memref<1024x128xf32, #tpu.memory_space<vmem>>, vector<1024x128xf32>
    tpu.vector_store %arg5[%swap3A, %swap3A_27], %mul3A_26 {strides = array<i32>} : memref<1024x128xf32, #tpu.memory_space<vmem>>, vector<1024x128xf32>,
    return
  }
  func.func @transform_0(%arg0: i32) -> (i32, i32, i32) {
    %c0_i32 = arith.constant 0 : i32
    %c0_i32_0 = arith.constant 0 : i32
    %c0_i32_1 = arith.constant 0 : i32
    return %c0_i32, %arg0, %c0_i32_0 : i32, i32, i32
  }
  func.func @transform_1(%arg0: i32) -> (i32, i32) {
    %c0_i32 = arith.constant 0 : i32
    %c0_i32_0 = arith.constant 0 : i32
    return %arg0, %c0_i32 : i32, i32
  }
  func.func @transform_2(%arg0: i32) -> (i32, i32) {
    %c0_i32 = arith.constant 0 : i32
    %c0_i32_0 = arith.constant 0 : i32
    return %arg0, %c0_i32 : i32, i32
  }
  func.func @transform_3(%arg0: i32) -> (i32, i32) {
    %c0_i32 = arith.constant 0 : i32
    %c0_i32_0 = arith.constant 0 : i32
    %c0_i32_1 = arith.constant 0 : i32
    return %c0_i32, %c0_i32_0 : i32, i32
  }
  func.func @transform_4(%arg0: i32) -> (i32, i32) {
    %c0_i32 = arith.constant 0 : i32
    %c0_i32_0 = arith.constant 0 : i32
    return %arg0, %c0_i32 : i32, i32
  }
}

module attributes {stable_mosaic.version = 14 : i64} {
  func.func @body(%arg0: i32, %arg1: memref<2x1024x128xf32, #tpu.memory_space<vmem>>, %arg2: memref<1024x128xf32, #tpu.memory_space<vmem>>, %arg3: memref<1024x128xf32, #tpu.memory_space<vmem>>, %arg4: memref<128x128xf32, #tpu.memory_space<vmem>>, %arg5: memref<1x128xf32, #tpu.memory_space<vmem>>, %arg6: memref<1024x128xf32, #tpu.memory_space<vmem>>) attributes {dimension_semantics = [#tpu.dimension_semantics<arbitrary>], iteration_bounds = array<i64: 10>, scalar_prefetch = 0 : i64, scratch_operands = 0 : i64, tpu.core_type = #tpu.core_type<tc>, window_params = [{transform_indices = @transform_0, window_bounds = array<i64: 2, 1024, 128>}, {transform_indices = @transform_1, window_bounds = array<i64: 1024, 128>}, {transform_indices = @transform_2, window_bounds = array<i64: 1024, 128>}, {pipeline_mode = #tpu.pipeline_mode<synchronous>, transform_indices = @transform_3, window_bounds = array<i64: 128, 128>}, {pipeline_mode = #tpu.pipeline_mode<synchronous>, transform_indices = @transform_4, window_bounds = array<i64: 1, 128>}, {transform_indices = @transform_5, window_bounds = array<i64: 1024, 128>}]} {
    %get3A = arith.constant 0 : index
    %get3A_0 = arith.constant 0 : index
    %get3A_1 = arith.constant 0 : index
    %get3A_2 = vector.load %arg1[%get3A, %get3A_0, %get3A_1] : memref<2x1024x128xf32, #tpu.memory_space<vmem>>, vector<1x1024x128xf32>
    %get3A_3 = vector.shape_cast %get3A_2 : vector<1x1024x128xf32> to vector<1024x128xf32>
    %get3A_4 = arith.constant 1 : index
    %get3A_5 = arith.constant 0 : index
    %get3A_6 = arith.constant 0 : index
    %get3A_7 = vector.load %arg1[%get3A_4, %get3A_5, %get3A_6] : memref<2x1024x128xf32, #tpu.memory_space<vmem>>, vector<1x1024x128xf32>
    %get3A_8 = vector.shape_cast %get3A_7 : vector<1x1024x128xf32> to vector<1024x128xf32>
    %add3A = arith.addf %get3A_3, %get3A_8 : vector<1024x128xf32>
    %get3A_9 = arith.constant 0 : index
    %get3A_10 = arith.constant 0 : index
    %get3A_11 = vector.load %arg2[%get3A_9, %get3A_10] : memref<1024x128xf32, #tpu.memory_space<vmem>>, vector<1024x128xf32>
    %add3A_12 = arith.addf %add3A, %get3A_11 : vector<1024x128xf32>
    %get3A_13 = arith.constant 0 : index
    %get3A_14 = arith.constant 0 : index
    %get3A_15 = vector.load %arg3[%get3A_13, %get3A_14] : memref<1024x128xf32, #tpu.memory_space<vmem>>, vector<1024x128xf32>
    %mul3A = arith.mulf %get3A_15, %add3A_12 : vector<1024x128xf32>
    %get3A_16 = arith.constant 0 : index
    %get3A_17 = arith.constant 0 : index
    %get3A_18 = vector.load %arg5[%get3A_16, %get3A_17] : memref<1x128xf32, #tpu.memory_space<vmem>>, vector<1x128xf32>
    %add3A_19 = vector.broadcast %get3A_18 : vector<1x128xf32> to vector<1024x128xf32>
    %add3A_20 = arith.addf %mul3A, %add3A_19 : vector<1024x128xf32>
    %max3A = arith.constant 0.000000e+00 : f32
    %max3A_21 = vector.broadcast %max3A : f32 to vector<1024x128xf32>
    %max3A_22 = arith.maximumf %add3A_20, %max3A_21 : vector<1024x128xf32>
    %get3A_23 = arith.constant 0 : index
    %get3A_24 = arith.constant 0 : index
    %get3A_25 = vector.load %arg3[%get3A_23, %get3A_24] : memref<1024x128xf32, #tpu.memory_space<vmem>>, vector<1024x128xf32>
    %get3A_26 = arith.constant 0 : index
    %get3A_27 = arith.constant 0 : index
    %get3A_28 = vector.load %arg4[%get3A_26, %get3A_27] : memref<128x128xf32, #tpu.memory_space<vmem>>, vector<128x128xf32>
    %dot_general3A = arith.constant dense<0.000000e+00> : vector<1024x128xf32>
    %dot_general3A_29 = tpu.matmul %max3A_22, %get3A_28, %dot_general3A {dimension_numbers = #tpu.dot_dimension_numbers<[1], [0], [0], [1], [0, 0, 1, 1], [], []>, transpose_lhs_hint = false} : vector<1024x128xf32>, vector<128x128xf32>, vector<1024x128xf32> -> vector<1024x128xf32>
    %mul3A_30 = arith.mulf %get3A_25, %dot_general3A_29 : vector<1024x128xf32>
    %swap3A = arith.constant 0 : index
    %swap3A_31 = arith.constant 0 : index
    %swap3A_32 = vector.load %arg6[%swap3A, %swap3A_31] : memref<1024x128xf32, #tpu.memory_space<vmem>>, vector<1024x128xf32>
    tpu.vector_store %arg6[%swap3A, %swap3A_31], %mul3A_30 {strides = array<i32>} : memref<1024x128xf32, #tpu.memory_space<vmem>>, vector<1024x128xf32>,
    return
  }
  func.func @transform_0(%arg0: i32) -> (i32, i32, i32) {
    %c0_i32 = arith.constant 0 : i32
    %c0_i32_0 = arith.constant 0 : i32
    %c0_i32_1 = arith.constant 0 : i32
    return %c0_i32, %arg0, %c0_i32_0 : i32, i32, i32
  }
  func.func @transform_1(%arg0: i32) -> (i32, i32) {
    %c0_i32 = arith.constant 0 : i32
    %c0_i32_0 = arith.constant 0 : i32
    return %arg0, %c0_i32 : i32, i32
  }
  func.func @transform_2(%arg0: i32) -> (i32, i32) {
    %c0_i32 = arith.constant 0 : i32
    %c0_i32_0 = arith.constant 0 : i32
    return %arg0, %c0_i32 : i32, i32
  }
  func.func @transform_3(%arg0: i32) -> (i32, i32) {
    %c0_i32 = arith.constant 0 : i32
    %c0_i32_0 = arith.constant 0 : i32
    %c0_i32_1 = arith.constant 0 : i32
    return %c0_i32, %c0_i32_0 : i32, i32
  }
  func.func @transform_4(%arg0: i32) -> (i32, i32) {
    %c0_i32 = arith.constant 0 : i32
    %c0_i32_0 = arith.constant 0 : i32
    %c0_i32_1 = arith.constant 0 : i32
    return %c0_i32, %c0_i32_0 : i32, i32
  }
  func.func @transform_5(%arg0: i32) -> (i32, i32) {
    %c0_i32 = arith.constant 0 : i32
    %c0_i32_0 = arith.constant 0 : i32
    return %arg0, %c0_i32 : i32, i32
  }
}

module attributes {stable_mosaic.version = 14 : i64} {
  func.func @body(%arg0: i32, %arg1: memref<2x1024x128xf32, #tpu.memory_space<vmem>>, %arg2: memref<1024x128xf32, #tpu.memory_space<vmem>>, %arg3: memref<1024x128xf32, #tpu.memory_space<vmem>>, %arg4: memref<128x121xf32, #tpu.memory_space<vmem>>, %arg5: memref<1x121xf32, #tpu.memory_space<vmem>>, %arg6: memref<1024x121xf32, #tpu.memory_space<vmem>>) attributes {dimension_semantics = [#tpu.dimension_semantics<arbitrary>], iteration_bounds = array<i64: 10>, scalar_prefetch = 0 : i64, scratch_operands = 0 : i64, tpu.core_type = #tpu.core_type<tc>, window_params = [{transform_indices = @transform_0, window_bounds = array<i64: 2, 1024, 128>}, {transform_indices = @transform_1, window_bounds = array<i64: 1024, 128>}, {transform_indices = @transform_2, window_bounds = array<i64: 1024, 128>}, {pipeline_mode = #tpu.pipeline_mode<synchronous>, transform_indices = @transform_3, window_bounds = array<i64: 128, 121>}, {pipeline_mode = #tpu.pipeline_mode<synchronous>, transform_indices = @transform_4, window_bounds = array<i64: 1, 121>}, {transform_indices = @transform_5, window_bounds = array<i64: 1024, 121>}]} {
    %get3A = arith.constant 0 : index
    %get3A_0 = arith.constant 0 : index
    %get3A_1 = vector.load %arg3[%get3A, %get3A_0] : memref<1024x128xf32, #tpu.memory_space<vmem>>, vector<1024x128xf32>
    %get3A_2 = arith.constant 0 : index
    %get3A_3 = arith.constant 0 : index
    %get3A_4 = arith.constant 0 : index
    %get3A_5 = vector.load %arg1[%get3A_2, %get3A_3, %get3A_4] : memref<2x1024x128xf32, #tpu.memory_space<vmem>>, vector<1x1024x128xf32>
    %get3A_6 = vector.shape_cast %get3A_5 : vector<1x1024x128xf32> to vector<1024x128xf32>
    %get3A_7 = arith.constant 1 : index
    %get3A_8 = arith.constant 0 : index
    %get3A_9 = arith.constant 0 : index
    %get3A_10 = vector.load %arg1[%get3A_7, %get3A_8, %get3A_9] : memref<2x1024x128xf32, #tpu.memory_space<vmem>>, vector<1x1024x128xf32>
    %get3A_11 = vector.shape_cast %get3A_10 : vector<1x1024x128xf32> to vector<1024x128xf32>
    %add3A = arith.addf %get3A_6, %get3A_11 : vector<1024x128xf32>
    %get3A_12 = arith.constant 0 : index
    %get3A_13 = arith.constant 0 : index
    %get3A_14 = vector.load %arg2[%get3A_12, %get3A_13] : memref<1024x128xf32, #tpu.memory_space<vmem>>, vector<1024x128xf32>
    %add3A_15 = arith.addf %add3A, %get3A_14 : vector<1024x128xf32>
    %mul3A = arith.mulf %get3A_1, %add3A_15 : vector<1024x128xf32>
    %get3A_16 = arith.constant 0 : index
    %get3A_17 = arith.constant 0 : index
    %get3A_18 = vector.load %arg4[%get3A_16, %get3A_17] : memref<128x121xf32, #tpu.memory_space<vmem>>, vector<128x121xf32>
    %dot_general3A = arith.constant dense<0.000000e+00> : vector<1024x121xf32>
    %dot_general3A_19 = tpu.matmul %mul3A, %get3A_18, %dot_general3A {dimension_numbers = #tpu.dot_dimension_numbers<[1], [0], [0], [1], [0, 0, 1, 1], [], []>, transpose_lhs_hint = false} : vector<1024x128xf32>, vector<128x121xf32>, vector<1024x121xf32> -> vector<1024x121xf32>
    %get3A_20 = arith.constant 0 : index
    %get3A_21 = arith.constant 0 : index
    %get3A_22 = vector.load %arg5[%get3A_20, %get3A_21] : memref<1x121xf32, #tpu.memory_space<vmem>>, vector<1x121xf32>
    %add3A_23 = vector.broadcast %get3A_22 : vector<1x121xf32> to vector<1024x121xf32>
    %add3A_24 = arith.addf %dot_general3A_19, %add3A_23 : vector<1024x121xf32>
    %swap3A = arith.constant 0 : index
    %swap3A_25 = arith.constant 0 : index
    %swap3A_26 = vector.load %arg6[%swap3A, %swap3A_25] : memref<1024x121xf32, #tpu.memory_space<vmem>>, vector<1024x121xf32>
    tpu.vector_store %arg6[%swap3A, %swap3A_25], %add3A_24 {strides = array<i32>} : memref<1024x121xf32, #tpu.memory_space<vmem>>, vector<1024x121xf32>,
    return
  }
  func.func @transform_0(%arg0: i32) -> (i32, i32, i32) {
    %c0_i32 = arith.constant 0 : i32
    %c0_i32_0 = arith.constant 0 : i32
    %c0_i32_1 = arith.constant 0 : i32
    return %c0_i32, %arg0, %c0_i32_0 : i32, i32, i32
  }
  func.func @transform_1(%arg0: i32) -> (i32, i32) {
    %c0_i32 = arith.constant 0 : i32
    %c0_i32_0 = arith.constant 0 : i32
    return %arg0, %c0_i32 : i32, i32
  }
  func.func @transform_2(%arg0: i32) -> (i32, i32) {
    %c0_i32 = arith.constant 0 : i32
    %c0_i32_0 = arith.constant 0 : i32
    return %arg0, %c0_i32 : i32, i32
  }
  func.func @transform_3(%arg0: i32) -> (i32, i32) {
    %c0_i32 = arith.constant 0 : i32
    %c0_i32_0 = arith.constant 0 : i32
    %c0_i32_1 = arith.constant 0 : i32
    return %c0_i32, %c0_i32_0 : i32, i32
  }
  func.func @transform_4(%arg0: i32) -> (i32, i32) {
    %c0_i32 = arith.constant 0 : i32
    %c0_i32_0 = arith.constant 0 : i32
    %c0_i32_1 = arith.constant 0 : i32
    return %c0_i32, %c0_i32_0 : i32, i32
  }
  func.func @transform_5(%arg0: i32) -> (i32, i32) {
    %c0_i32 = arith.constant 0 : i32
    %c0_i32_0 = arith.constant 0 : i32
    return %arg0, %c0_i32 : i32, i32
  }
}

</mosaic_0001>

<sc_bundles>
// kernel: kernel.10.cloned.1.call-start
scs
__scs_entry_jumppad:
0x0: {  	(pc) =	sbr.rel $0x88, $3  }
0x1: {  	(tag) =	ssettag $0x0;
	lr =	simm.s32 $0x1  }
0x2: {  	[smem:$0x3F99] =	sst lr;
	_ =	strace $0xD0000000  }
0x3: {  	_ = 	snop  }
0x4: {  	_ = 	snop  }
0x5: {  	_ = 	snop  }
0x6: {  	_ = 	snop  }
0x7: {  	_ = 	snop  }
__scs_overlays_trampoline_lowered:
0x8: {  	[smem:$0x3FA8] =	sst s0  }
0x9: {  	[smem:$0x3FA9] =	sst s1  }
0xa: {  	[smem:$0x3FAA] =	sst s2  }
0xb: {  	[smem:$0x3FAB] =	sst s3  }
0xc: {  	[smem:$0x3FAC] =	sst s4  }
0xd: {  	[smem:$0x3FAD] =	sst s5  }
0xe: {  	[smem:$0x3FAE] =	sst s6  }
0xf: {  	[smem:$0x3FAF] =	sst s7  }
0x10: {  	[smem:$0x3FB0] =	sst s8  }
0x11: {  	[smem:$0x3FB1] =	sst s9;
	s0 =	simm.s32 @!p0 $0x0  }
0x12: {  	s1 =	sld [smem:$0x3F97];
	s0 =	simm.s32 @p0 $0x1  }
0x13: {  	[smem:$0x3FB2] =	sst s0;
	s0 =	simm.s32 @!p1 $0x0  }
0x14: {  	s2 =	sld [smem:$0x3F96];
	s0 =	simm.s32 @p1 $0x1  }
0x15: {  	[smem:$0x3FB3] =	sst s0;
	s0 =	simm.s32 @!p2 $0x0  }
0x16: {  	s3 =	sld [smem:$0x3FDB];
	s0 =	simm.s32 @p2 $0x1  }
0x17: {  	s4 =	simm.s32 $0x1BF5;
	[smem:$0x3FB5] =	sst s0  }
0x18: {  	s0 =	sld [smem:$0x3F98];
	_ =	swait.ge [sflag:s4], $0x0  }
0x19: {  	s7 =	sld [smem:$0x3F99]  }
0x1a: {  	s8 =	sadd.s32 $0xFFFFE003, lr  }
0x1b: {  	s9 =	sadd.s32 $0xFFFFFEF7, lr;
	s5 =	simm.s32 $0xFFFFFFFF;
	p2 =	slt.u32 s8, $0xFFFFF086  }
0x1c: {  	p1 =	slt.u32 s9, $0xF7A;
	s5 =	simm.s32 @!p2 $0x0  }
0x1d: {  	s5 =	simm.s32 @p1 $0x1;
	p0 =	seq.s32 s7, s2  }
0x1e: {  	s7 =	smul.u32 @!p0 $0xF7A, s2;
	p2 =	seq.s32 @!p0 s5, $0x0  }
0x1f: {  	s9 =	smul.u32 $0xF7A, s1;
	s8 =	simm.s32 @!p0 $0x1BF5;
	p2 =	por !p2, p0  }
0x20: {  	[sflag:s8] =	ssyncset.s32 @!p0 $0xFFFFF086;
	s6 =	sadd.s32 @!p0 s3, s7;
	s7 =	simm.s32 @!p0 $0x108  }
0x21: {  	s3 =	sadd.s32 s3, s9;
	s6 =	sadd.s32 @!p0 $0x88, s6;
	s7 =	simm.s32 @p2 $0x1082  }
0x22: {  	[simem:s7], [sflag:s8] =	dma.local @!p0 [hbm:s6], $0xF7A  }
0x23: {  	s9 =	sor.u32 $0xD0000000, s2;
	s6 =	simm.s32 $0x108;
	_ =	swait.ge @!p0 [sflag:s8], $0x0  }
0x24: {  	s3 =	sadd.s32 $0x88, s3;
	s6 =	simm.s32 @!p1 $0x1082;
	[sflag:s4] =	ssyncset.s32 $0xFFFFF086  }
0x25: {  	[simem:s6], [sflag:s4] =	dma.local [hbm:s3], $0xF7A  }
0x26: {  	[smem:$0x3F99] =	sst s1;
	(tag) =	ssettag s2;
	_ =	strace s9  }
0x27: {  	s1 =	sld [smem:$0x3FA9]  }
0x28: {  	s2 =	sld [smem:$0x3FAA]  }
0x29: {  	s4 =	sld [smem:$0x3FAC]  }
0x2a: {  	p0 =	seq.s32 s5, $0x0;
	s5 =	sld [smem:$0x3FAD]  }
0x2b: {  	s6 =	sld [smem:$0x3FAE]  }
0x2c: {  	s7 =	sld [smem:$0x3FAF]  }
0x2d: {  	s3 =	simm.s32 $0x108;
	s8 =	sld [smem:$0x3FB0]  }
0x2e: {  	s3 =	simm.s32 @!p0 $0x1082;
	s9 =	sld [smem:$0x3FB1]  }
0x2f: {  	lr =	sadd.s32 s0, s3;
	s0 =	sld [smem:$0x3FA8]  }
0x30: {  	s3 =	sld [smem:$0x3FAB]  }
0x31: {  	[smem:$0x3FB4] =	sst s10  }
0x32: {  	s10 =	sld [smem:$0x3FB2];
	_ =	sdelay $0x3  }
0x33: {  	p0 =	seq.s32 s10, $0x1;
	s10 =	sld [smem:$0x3FB4];
	_ =	sdelay $0x3  }
0x34: {  	[smem:$0x3FB4] =	sst s10  }
0x35: {  	s10 =	sld [smem:$0x3FB3];
	_ =	sdelay $0x3  }
0x36: {  	p1 =	seq.s32 s10, $0x1;
	s10 =	sld [smem:$0x3FB4];
	_ =	sdelay $0x3  }
0x37: {  	[smem:$0x3FB4] =	sst s10  }
0x38: {  	s10 =	sld [smem:$0x3FB5]  }
0x39: {  	_ = 	snop;
	(pc) =	sbr.ind lr, $3  }
0x3a: {  	_ = 	snop  }
0x3b: {  	_ = 	snop  }
0x3c: {  	p2 =	seq.s32 s10, $0x1;
	s10 =	sld [smem:$0x3FB4]  }
0x3d: {  	_ =	shalt  }
0x3e: {  	_ =	shalt  }
0x3f: {  	_ =	shalt  }
0x40: {  	_ =	shalt  }
0x41: {  	_ =	shalt  }
0x42: {  	_ =	shalt  }
0x43: {  	_ =	shalt  }
0x44: {  	_ =	shalt  }
0x45: {  	_ =	shalt  }
0x46: {  	_ =	shalt  }
0x47: {  	_ =	shalt  }
0x48: {  	_ =	shalt  }
0x49: {  	_ =	shalt  }
0x4a: {  	_ =	shalt  }
0x4b: {  	_ =	shalt  }
0x4c: {  	_ =	shalt  }
0x4d: {  	_ =	shalt  }
0x4e: {  	_ =	shalt  }
0x4f: {  	_ =	shalt  }
0x50: {  	_ =	shalt  }
0x51: {  	_ =	shalt  }
0x52: {  	_ =	shalt  }
0x53: {  	_ =	shalt  }
0x54: {  	_ =	shalt  }
0x55: {  	_ =	shalt  }
0x56: {  	_ =	shalt  }
0x57: {  	_ =	shalt  }
0x58: {  	_ =	shalt  }
0x59: {  	_ =	shalt  }
0x5a: {  	_ =	shalt  }
0x5b: {  	_ =	shalt  }
0x5c: {  	_ =	shalt  }
0x5d: {  	_ =	shalt  }
0x5e: {  	_ =	shalt  }
0x5f: {  	_ =	shalt  }
0x60: {  	_ =	shalt  }
0x61: {  	_ =	shalt  }
0x62: {  	_ =	shalt  }
0x63: {  	_ =	shalt  }
0x64: {  	_ =	shalt  }
0x65: {  	_ =	shalt  }
0x66: {  	_ =	shalt  }
0x67: {  	_ =	shalt  }
0x68: {  	_ =	shalt  }
0x69: {  	_ =	shalt  }
0x6a: {  	_ =	shalt  }
0x6b: {  	_ =	shalt  }
0x6c: {  	_ =	shalt  }
0x6d: {  	_ =	shalt  }
0x6e: {  	_ =	shalt  }
0x6f: {  	_ =	shalt  }
0x70: {  	_ =	shalt  }
0x71: {  	_ =	shalt  }
0x72: {  	_ =	shalt  }
0x73: {  	_ =	shalt  }
0x74: {  	_ =	shalt  }
0x75: {  	_ =	shalt  }
0x76: {  	_ =	shalt  }
0x77: {  	_ =	shalt  }
0x78: {  	_ =	shalt  }
0x79: {  	_ =	shalt  }
0x7a: {  	_ =	shalt  }
0x7b: {  	_ =	shalt  }
0x7c: {  	_ =	shalt  }
0x7d: {  	_ =	shalt  }
0x7e: {  	_ =	shalt  }
0x7f: {  	_ =	shalt  }
0x80: {  	_ =	shalt  }
0x81: {  	_ =	shalt  }
0x82: {  	_ =	shalt  }
0x83: {  	_ =	shalt  }
0x84: {  	_ =	shalt  }
0x85: {  	_ =	shalt  }
0x86: {  	_ =	shalt  }
0x87: {  	_ =	shalt  }
.Lfunc_end0:
.L_simem_size_0:
called_computation_lowered:
.L_overlay_start_0:
0x88: {  	s2 =	sld [smem:$0x3FD9]  }
0x89: {  	s3 =	sld [smem:$0x3FFE];
	_ =	sdelay $0x1  }
0x8a: {  	s1 =	srdreg.scid  }
0x8b: {  	s0 =	sand.u32 $0x1, s1  }
0x8c: {  	s17 =	sshll.u32 s0, $0xA;
	s2 =	sadd.s32 s3, s2  }
0x8d: {  	s2 =	sadd.s32 s2, s17  }
0x8e: {  	[smem:$0x3FC0] =	sst s2  }
0x8f: {  	_ = 	snop  }
0x90: {  	s2 =	sld [smem:$0x3FD0];
	(tm) =	ssettm $0x1  }
0x91: {  	s18 =	sld [smem:$0x3FFB];
	_ =	sdelay $0x3  }
0x92: {  	_ =	strace s18  }
0x93: {  	s3 =	sld [smem:$0x3FFC];
	_ =	sdelay $0x3  }
0x94: {  	_ =	strace s3  }
0x95: {  	s3 =	sld [smem:$0x3FFD];
	_ =	sdelay $0x3  }
0x96: {  	_ =	strace s3  }
0x97: {  	_ =	strace $0x8FFFFFFF  }
0x98: {  	s19 =	sld [smem:$0x3FDB];
	_ =	sdelay $0x1  }
0x99: {  	s4 =	simm.s32 $_scs_section_size  }
0x9a: {  	s5 =	simm.s32 $_size__tile_overlayer_lowered;
	s6 =	simm.s32 $_tile_overlayer_lowered  }
0x9b: {  	s22 =	simm.s32 $0x1BFF;
	s21 =	sshll.u32 s6, $0x1;
	s3 =	sadd.s32 s4, s19  }
0x9c: {  	s7 =	simm.s32 $0x0;
	s20 =	sshll.u32 s5, $0x1;
	s5 =	sadd.s32 s21, s3  }
0x9d: {  	[timem:s7], [sflag:s22] =	dma.local [hbm:s5], s20  }
0x9e: {  	_ =	swait.ge [sflag:s22], s20  }
0x9f: {  	s4 =	ssub.s32 $0x0, s20;
	[sflag:s22] =	ssyncset.done $0x0  }
0xa0: {  	[sflag:s22] =	ssyncadd.s32 s4;
	_ =	sdelay $0x1  }
0xa1: {  	s23 =	simm.s32 $0x1B8B  }
0xa2: {  	_ =	swait.ge [sflag:s23], $0x1  }
0xa3: {  	[sflag:s23] =	ssyncset.done $0x0  }
0xa4: {  	s25 =	simm.s32 $0x1B8E;
	s24 =	sld [smem:$0x3FFE];
	[sflag:s23] =	ssyncadd.s32 $0xFFFFFFFF  }
0xa5: {  	s26 =	simm.s32 $execute0_lowered;
	[smem:$0x3FD2] =	sst s25  }
0xa6: {  	s5 =	sshll.u32 s26, $0x1;
	_ =	strace $0x80000046;
	[dreg:$0x1] =	wrdreg $0xFFFFFFFF  }
0xa7: {  	s28 =	simm.s32 $_size_execute0_lowered;
	s3 =	sadd.s32 s3, s5;
	[dreg:$0x0] =	wrdreg $0x0  }
0xa8: {  	s5 =	sshll.u32 s28, $0x1;
	[dreg:$0x2] =	wrdreg s3  }
0xa9: {  	[dreg:$0x3] =	wrdreg s5  }
0xaa: {  	[dreg:$0x4] =	wrdreg $0xC0  }
0xab: {  	_ =	task [dreg:s7], $0x5FFFF  }
0xac: {  	[dreg:$0x1] =	wrdreg $0xFFFFFFFF  }
0xad: {  	[dreg:$0x0] =	wrdreg $0x60  }
0xae: {  	[dreg:$0x2] =	wrdreg s2  }
0xaf: {  	[dreg:$0x3] =	wrdreg s24  }
0xb0: {  	[dreg:$0x4] =	wrdreg $0x68000  }
0xb1: {  	[dreg:$0x5] =	wrdreg $0x9  }
0xb2: {  	_ =	task.clear_ibuf [dreg:s7], $0x6FFFF;
	_ =	strace $0x90000046  }
0xb3: {  	s29 =	simm.s32 $0x9;
	_ =	strace $0x80000048  }
0xb4: {  	_ =	swait.ge [sflag:s29], $0x1  }
0xb5: {  	[sflag:s29] =	ssyncadd.s32 $0xFFFFFFFF  }
0xb6: {  	_ =	strace $0x90000048  }
0xb7: {  	_ =	sfence  }
0xb8: {  	s30 =	sld [smem:$0x0];
	_ =	sdelay $0x2  }
0xb9: {  	s31 =	sshll.u32 s1, $0xD;
	s1 =	sshrl.u32 s1, $0x2  }
0xba: {  	s3 =	sand.u32 $0x4000, s31;
	s1 =	sadd.s32 s1, s30  }
0xbb: {  	s0 =	sor.u32 s3, s0;
	s1 =	sshll.u32 s1, $0x11  }
0xbc: {  	s0 =	sor.u32 s1, s0  }
0xbd: {  	s0 =	sadd.s32 $0x8F2B, s0  }
0xbe: {  	[sflag:s0] =	ssyncadd.remote.s32 $0x1  }
0xbf: {  	_ =	sfence.sel $0xFFFF  }
0xc0: {  	[dreg:$0x0] =	wrdreg $0xFFFFFFFF;
	(pc) =	sbr.abs _section_cstart, $3  }
0xc1: {  	[dreg:$0x1] =	wrdreg $0xFFFFFFFF  }
0xc2: {  	_ =	task.clear_ibuf [dreg:s7], $0x2FFFF;
	_ =	strace $0x9FFFFFFF  }
0xc3: {  	(tm) =	ssettm $0x7FFFFFFF  }
tec
execute0_lowered:
.L_overlay_start_1:
0x0: {  	(tag) =	ssettag $0x1  }
0x1: {  	s7 =	rddreg [dreg:$0x0]  }
0x2: {  	s5 =	rddreg [dreg:$0x1];
	s0 =	stileid.u32  }
0x3: {  	s1 =	srdreg.scid;
	s2 =	rddreg [dreg:$0x2]  }
0x4: {  	s3 =	simm.s32 $0x0;
	s13 =	simm.s32 $0x80;
	s14 =	simm.s32 $0x0  }
0x5: {  	s4 =	smul.u32 $0x14000, s0;
	s6 =	sand.u32 $0x1, s1;
	s1 =	rddreg [dreg:$0x3]  }
0x6: {  	[smem:$0x7FF] =	sst s3;
	s11 =	smul.u32 $0x50000, s0;
	s12 =	sshll.u32 s0, $0x1  }
0x7: {  	s31 =	sshll.u32 s0, $0x6;
	s8 =	smul.u32 $0x140000, s6;
	_ =	strace $0x80000047  }
0x8: {  	s10 =	ssub.s32 $0x2, s6;
	s6 =	sor.u32 s6, s12;
	s12 =	simm.s32 $0x2800  }
0x9: {  	s9 =	sshrl.u32 s4, $0x3;
	s26 =	sshrl.u32 s10, $0x1;
	s28 =	sshrl.u32 s11, $0x2  }
0xa: {  	s29 =	smul.u32 $0x500, s6;
	s6 =	sor.u32 $0x1C01, s31;
	s11 =	simm.s32 $0x1  }
0xb: {  	s8 =	sadd.s32 s4, s8;
	s4 =	sadd.s32 $0xDA00, s5;
	s9 =	sadd.s32 s9, s5  }
0xc: {  	s10 =	ssub.s32 s10, s26;
	s30 =	sadd.s32 s28, s2;
	s8 =	sshrl.u32 s8, $0x3  }
0xd: {  	s7 =	sadd.s32 s7, s29;
	s8 =	sadd.s32 s8, s5;
	s5 =	sadd.s32 $0xE200, s9  }
0xe: {  	s9 =	smax.u32 s10, $0x1;
	s10 =	sshrl.u32 s30, $0x3;
	s8 =	sadd.s32 $0x36200, s8  }
.LBB2_1:
0xf: {  	[spmem:s10], [sflag:s6] =	dma.local [hbm:s5], $0x2800  }
0x10: {  	_ =	swait.ge [sflag:s11], $0x2800  }
0x11: {  	[sflag:s11] =	ssyncset.done $0x0  }
0x12: {  	[sflag:s11] =	ssyncadd.s32 $0xFFFFD800  }
0x13: {  	[tilespmem:s12], [sflag:$0x1] =	stream.linear.gather [hbm4b:s4+s3], $0x4000, $0x38;
	[tilespmem:$0x1A800] =	vst v63  }
0x14: {  	_ =	swait.ge [sflag:s11], $0x4000  }
0x15: {  	[sflag:s11] =	ssyncset.done $0x0  }
0x16: {  	[sflag:s11] =	ssyncadd.s32 $0xFFFFC000  }
0x17: {  	[tilespmem:s3], [sflag:$0x1] =	stream.linear.gather [hbm4b:s7+s3], $0x2800, $0x38;
	[tilespmem:$0x1A800] =	vst v63  }
0x18: {  	_ =	swait.ge [sflag:s11], $0x2800  }
0x19: {  	[sflag:s11] =	ssyncset.done $0x0  }
0x1a: {  	[sflag:s11] =	ssyncadd.s32 $0xFFFFD800  }
0x1b: {  	s15 =	simm.s32 $0x0;
	[bflag:$0x0] =	sbarrier.arrive $0xFFFF  }
0x1c: {  	[spmem:s2] =	stream.indirect.scatter.add.f32 [tilespmem:s12], [sflag:$0x1], $0x80, s15, s13, $0xb8;
	[tilespmem:$0x1A800] =	vst v63  }
0x1d: {  	_ =	swait.ge [sflag:s11], $0x4000  }
0x1e: {  	s15 =	simm.s32 $0x200;
	[sflag:s11] =	ssyncset.done $0x0  }
.LBB2_2:
0x1f: {  	s16 =	sshra.s32 s15, $0x2;
	[sflag:s11] =	ssyncadd.s32 $0xFFFFC000;
	p0 =	sne.s32 s15, $0x9E00  }
0x20: {  	[spmem:s2] =	stream.indirect.scatter.add.f32 [tilespmem:s12], [sflag:$0x1], $0x80, s16, s13, $0xb8;
	[tilespmem:$0x1A800] =	vst v63  }
.Ltmp0:
0x21: {  	_ = 	snop;
	(pc) =	sbr.rel @p0 .LBB2_2-.Ltmp0, $4  }
0x22: {  	_ = 	snop  }
0x23: {  	s15 =	sadd.s32 $0x200, s15  }
0x24: {  	_ =	swait.ge [sflag:s11], $0x4000  }
0x25: {  	[sflag:s11] =	ssyncset.done $0x0  }
0x26: {  	s14 =	sadd.s32 $0x1, s14  }
0x27: {  	[sflag:s11] =	ssyncadd.s32 $0xFFFFC000;
	p0 =	sne.s32 s14, s9  }
.Ltmp1:
0x28: {  	[bflag:$0x0] =	sbarrier.arrive $0xFFFF;
	(pc) =	sbr.rel @p0 .LBB2_1-.Ltmp1, $4  }
0x29: {  	[hbm:s8], [sflag:s6] =	dma.local [spmem:s10], $0x2800  }
0x2a: {  	_ =	swait.ge [sflag:s11], $0x2800  }
0x2b: {  	[sflag:s11] =	ssyncset.done $0x0  }
0x2c: {  	[sflag:s11] =	ssyncadd.s32 $0xFFFFD800  }
0x2d: {  	_ =	sfence.sel $0x180000  }
0x2e: {  	[bflag:$0x0] =	sbarrier.arrive $0xFFFF  }
0x2f: {  	p0 =	sne.s32 s0, $0x0;
	_ =	strace $0x90000047  }
0x30: {  	s0 =	sadd.s32 @!p0 $0x100000, s1;
	[bflag:$0x2] =	sbarrier.arrive $0xFFFF  }
0x31: {  	[sflag:s0] =	ssyncadd.tile.s32 @!p0 $0x1;
	_ =	shalt  }
.Lfunc_end2:
_tile_overlayer_lowered:
.L_overlay_start_2:
0x32: {  	(tag) =	ssettag $0x2  }
0x33: {  	s0 =	rddreg [dreg:$0x0];
	s2 =	stileid.u32  }
0x34: {  	s1 =	rddreg [dreg:$0x1];
	p0 =	sne.s32 s2, $0x0  }
0x35: {  	s3 =	rddreg [dreg:$0x2];
	[bflag:$0x3] =	sbarrier.arrive $0xFFFF;
	s2 =	simm.s32 @!p0 $0x1C01  }
0x36: {  	[timem:s3], [sflag:s2] =	dma.local @!p0 [hbm:s0], s1  }
0x37: {  	s0 =	simm.s32 @!p0 $0x1  }
0x38: {  	_ =	swait.ge @!p0 [sflag:s0], s1  }
0x39: {  	s1 =	ssub.s32 @!p0 $0x0, s1;
	[sflag:s0] =	ssyncset.done @!p0 $0x0  }
0x3a: {  	[sflag:s0] =	ssyncadd.s32 @!p0 s1  }
0x3b: {  	[bflag:$0x3] =	sbarrier.arrive $0xFFFF  }
0x3c: {  	_ =	shalt  }

// kernel: kernel.13.cloned.1.call-start
scs
__scs_entry_jumppad:
0x0: {  	(pc) =	sbr.rel $0x88, $3  }
0x1: {  	(tag) =	ssettag $0x0;
	lr =	simm.s32 $0x1  }
0x2: {  	[smem:$0x3F99] =	sst lr;
	_ =	strace $0xD0000000  }
0x3: {  	_ = 	snop  }
0x4: {  	_ = 	snop  }
0x5: {  	_ = 	snop  }
0x6: {  	_ = 	snop  }
0x7: {  	_ = 	snop  }
__scs_overlays_trampoline_lowered:
0x8: {  	[smem:$0x3FA8] =	sst s0  }
0x9: {  	[smem:$0x3FA9] =	sst s1  }
0xa: {  	[smem:$0x3FAA] =	sst s2  }
0xb: {  	[smem:$0x3FAB] =	sst s3  }
0xc: {  	[smem:$0x3FAC] =	sst s4  }
0xd: {  	[smem:$0x3FAD] =	sst s5  }
0xe: {  	[smem:$0x3FAE] =	sst s6  }
0xf: {  	[smem:$0x3FAF] =	sst s7  }
0x10: {  	[smem:$0x3FB0] =	sst s8  }
0x11: {  	[smem:$0x3FB1] =	sst s9;
	s0 =	simm.s32 @!p0 $0x0  }
0x12: {  	s1 =	sld [smem:$0x3F97];
	s0 =	simm.s32 @p0 $0x1  }
0x13: {  	[smem:$0x3FB2] =	sst s0;
	s0 =	simm.s32 @!p1 $0x0  }
0x14: {  	s2 =	sld [smem:$0x3F96];
	s0 =	simm.s32 @p1 $0x1  }
0x15: {  	[smem:$0x3FB3] =	sst s0;
	s0 =	simm.s32 @!p2 $0x0  }
0x16: {  	s3 =	sld [smem:$0x3FDB];
	s0 =	simm.s32 @p2 $0x1  }
0x17: {  	s4 =	simm.s32 $0x1BF5;
	[smem:$0x3FB5] =	sst s0  }
0x18: {  	s0 =	sld [smem:$0x3F98];
	_ =	swait.ge [sflag:s4], $0x0  }
0x19: {  	s7 =	sld [smem:$0x3F99]  }
0x1a: {  	s8 =	sadd.s32 $0xFFFFE003, lr  }
0x1b: {  	s9 =	sadd.s32 $0xFFFFFEF7, lr;
	s5 =	simm.s32 $0xFFFFFFFF;
	p2 =	slt.u32 s8, $0xFFFFF086  }
0x1c: {  	p1 =	slt.u32 s9, $0xF7A;
	s5 =	simm.s32 @!p2 $0x0  }
0x1d: {  	s5 =	simm.s32 @p1 $0x1;
	p0 =	seq.s32 s7, s2  }
0x1e: {  	s7 =	smul.u32 @!p0 $0xF7A, s2;
	p2 =	seq.s32 @!p0 s5, $0x0  }
0x1f: {  	s9 =	smul.u32 $0xF7A, s1;
	s8 =	simm.s32 @!p0 $0x1BF5;
	p2 =	por !p2, p0  }
0x20: {  	[sflag:s8] =	ssyncset.s32 @!p0 $0xFFFFF086;
	s6 =	sadd.s32 @!p0 s3, s7;
	s7 =	simm.s32 @!p0 $0x108  }
0x21: {  	s3 =	sadd.s32 s3, s9;
	s6 =	sadd.s32 @!p0 $0x88, s6;
	s7 =	simm.s32 @p2 $0x1082  }
0x22: {  	[simem:s7], [sflag:s8] =	dma.local @!p0 [hbm:s6], $0xF7A  }
0x23: {  	s9 =	sor.u32 $0xD0000000, s2;
	s6 =	simm.s32 $0x108;
	_ =	swait.ge @!p0 [sflag:s8], $0x0  }
0x24: {  	s3 =	sadd.s32 $0x88, s3;
	s6 =	simm.s32 @!p1 $0x1082;
	[sflag:s4] =	ssyncset.s32 $0xFFFFF086  }
0x25: {  	[simem:s6], [sflag:s4] =	dma.local [hbm:s3], $0xF7A  }
0x26: {  	[smem:$0x3F99] =	sst s1;
	(tag) =	ssettag s2;
	_ =	strace s9  }
0x27: {  	s1 =	sld [smem:$0x3FA9]  }
0x28: {  	s2 =	sld [smem:$0x3FAA]  }
0x29: {  	s4 =	sld [smem:$0x3FAC]  }
0x2a: {  	p0 =	seq.s32 s5, $0x0;
	s5 =	sld [smem:$0x3FAD]  }
0x2b: {  	s6 =	sld [smem:$0x3FAE]  }
0x2c: {  	s7 =	sld [smem:$0x3FAF]  }
0x2d: {  	s3 =	simm.s32 $0x108;
	s8 =	sld [smem:$0x3FB0]  }
0x2e: {  	s3 =	simm.s32 @!p0 $0x1082;
	s9 =	sld [smem:$0x3FB1]  }
0x2f: {  	lr =	sadd.s32 s0, s3;
	s0 =	sld [smem:$0x3FA8]  }
0x30: {  	s3 =	sld [smem:$0x3FAB]  }
0x31: {  	[smem:$0x3FB4] =	sst s10  }
0x32: {  	s10 =	sld [smem:$0x3FB2];
	_ =	sdelay $0x3  }
0x33: {  	p0 =	seq.s32 s10, $0x1;
	s10 =	sld [smem:$0x3FB4];
	_ =	sdelay $0x3  }
0x34: {  	[smem:$0x3FB4] =	sst s10  }
0x35: {  	s10 =	sld [smem:$0x3FB3];
	_ =	sdelay $0x3  }
0x36: {  	p1 =	seq.s32 s10, $0x1;
	s10 =	sld [smem:$0x3FB4];
	_ =	sdelay $0x3  }
0x37: {  	[smem:$0x3FB4] =	sst s10  }
0x38: {  	s10 =	sld [smem:$0x3FB5]  }
0x39: {  	_ = 	snop;
	(pc) =	sbr.ind lr, $3  }
0x3a: {  	_ = 	snop  }
0x3b: {  	_ = 	snop  }
0x3c: {  	p2 =	seq.s32 s10, $0x1;
	s10 =	sld [smem:$0x3FB4]  }
0x3d: {  	_ =	shalt  }
0x3e: {  	_ =	shalt  }
0x3f: {  	_ =	shalt  }
0x40: {  	_ =	shalt  }
0x41: {  	_ =	shalt  }
0x42: {  	_ =	shalt  }
0x43: {  	_ =	shalt  }
0x44: {  	_ =	shalt  }
0x45: {  	_ =	shalt  }
0x46: {  	_ =	shalt  }
0x47: {  	_ =	shalt  }
0x48: {  	_ =	shalt  }
0x49: {  	_ =	shalt  }
0x4a: {  	_ =	shalt  }
0x4b: {  	_ =	shalt  }
0x4c: {  	_ =	shalt  }
0x4d: {  	_ =	shalt  }
0x4e: {  	_ =	shalt  }
0x4f: {  	_ =	shalt  }
0x50: {  	_ =	shalt  }
0x51: {  	_ =	shalt  }
0x52: {  	_ =	shalt  }
0x53: {  	_ =	shalt  }
0x54: {  	_ =	shalt  }
0x55: {  	_ =	shalt  }
0x56: {  	_ =	shalt  }
0x57: {  	_ =	shalt  }
0x58: {  	_ =	shalt  }
0x59: {  	_ =	shalt  }
0x5a: {  	_ =	shalt  }
0x5b: {  	_ =	shalt  }
0x5c: {  	_ =	shalt  }
0x5d: {  	_ =	shalt  }
0x5e: {  	_ =	shalt  }
0x5f: {  	_ =	shalt  }
0x60: {  	_ =	shalt  }
0x61: {  	_ =	shalt  }
0x62: {  	_ =	shalt  }
0x63: {  	_ =	shalt  }
0x64: {  	_ =	shalt  }
0x65: {  	_ =	shalt  }
0x66: {  	_ =	shalt  }
0x67: {  	_ =	shalt  }
0x68: {  	_ =	shalt  }
0x69: {  	_ =	shalt  }
0x6a: {  	_ =	shalt  }
0x6b: {  	_ =	shalt  }
0x6c: {  	_ =	shalt  }
0x6d: {  	_ =	shalt  }
0x6e: {  	_ =	shalt  }
0x6f: {  	_ =	shalt  }
0x70: {  	_ =	shalt  }
0x71: {  	_ =	shalt  }
0x72: {  	_ =	shalt  }
0x73: {  	_ =	shalt  }
0x74: {  	_ =	shalt  }
0x75: {  	_ =	shalt  }
0x76: {  	_ =	shalt  }
0x77: {  	_ =	shalt  }
0x78: {  	_ =	shalt  }
0x79: {  	_ =	shalt  }
0x7a: {  	_ =	shalt  }
0x7b: {  	_ =	shalt  }
0x7c: {  	_ =	shalt  }
0x7d: {  	_ =	shalt  }
0x7e: {  	_ =	shalt  }
0x7f: {  	_ =	shalt  }
0x80: {  	_ =	shalt  }
0x81: {  	_ =	shalt  }
0x82: {  	_ =	shalt  }
0x83: {  	_ =	shalt  }
0x84: {  	_ =	shalt  }
0x85: {  	_ =	shalt  }
0x86: {  	_ =	shalt  }
0x87: {  	_ =	shalt  }
.Lfunc_end0:
.L_simem_size_0:
called_computation.1_lowered:
.L_overlay_start_0:
0x88: {  	s2 =	sld [smem:$0x3FD9]  }
0x89: {  	s3 =	sld [smem:$0x3FFE];
	_ =	sdelay $0x1  }
0x8a: {  	s1 =	srdreg.scid  }
0x8b: {  	s0 =	sand.u32 $0x1, s1  }
0x8c: {  	s17 =	sshll.u32 s0, $0xA;
	s2 =	sadd.s32 s3, s2  }
0x8d: {  	s2 =	sadd.s32 s2, s17  }
0x8e: {  	[smem:$0x3FC0] =	sst s2  }
0x8f: {  	_ = 	snop  }
0x90: {  	s2 =	sld [smem:$0x3FD0];
	(tm) =	ssettm $0x1  }
0x91: {  	s18 =	sld [smem:$0x3FFB];
	_ =	sdelay $0x3  }
0x92: {  	_ =	strace s18  }
0x93: {  	s3 =	sld [smem:$0x3FFC];
	_ =	sdelay $0x3  }
0x94: {  	_ =	strace s3  }
0x95: {  	s3 =	sld [smem:$0x3FFD];
	_ =	sdelay $0x3  }
0x96: {  	_ =	strace s3  }
0x97: {  	_ =	strace $0x8FFFFFFF  }
0x98: {  	s19 =	sld [smem:$0x3FDB];
	_ =	sdelay $0x1  }
0x99: {  	s4 =	simm.s32 $_scs_section_size  }
0x9a: {  	s5 =	simm.s32 $_size__tile_overlayer_lowered;
	s6 =	simm.s32 $_tile_overlayer_lowered  }
0x9b: {  	s22 =	simm.s32 $0x1BFF;
	s21 =	sshll.u32 s6, $0x1;
	s3 =	sadd.s32 s4, s19  }
0x9c: {  	s7 =	simm.s32 $0x0;
	s20 =	sshll.u32 s5, $0x1;
	s5 =	sadd.s32 s21, s3  }
0x9d: {  	[timem:s7], [sflag:s22] =	dma.local [hbm:s5], s20  }
0x9e: {  	_ =	swait.ge [sflag:s22], s20  }
0x9f: {  	s4 =	ssub.s32 $0x0, s20;
	[sflag:s22] =	ssyncset.done $0x0  }
0xa0: {  	[sflag:s22] =	ssyncadd.s32 s4;
	_ =	sdelay $0x1  }
0xa1: {  	s23 =	simm.s32 $0x1B8B  }
0xa2: {  	_ =	swait.ge [sflag:s23], $0x1  }
0xa3: {  	[sflag:s23] =	ssyncset.done $0x0  }
0xa4: {  	s25 =	simm.s32 $0x1B8E;
	s24 =	sld [smem:$0x3FFE];
	[sflag:s23] =	ssyncadd.s32 $0xFFFFFFFF  }
0xa5: {  	s26 =	simm.s32 $execute0_lowered;
	[smem:$0x3FD2] =	sst s25  }
0xa6: {  	s5 =	sshll.u32 s26, $0x1;
	_ =	strace $0x80000049;
	[dreg:$0x1] =	wrdreg $0xFFFFFFFF  }
0xa7: {  	s28 =	simm.s32 $_size_execute0_lowered;
	s3 =	sadd.s32 s3, s5;
	[dreg:$0x0] =	wrdreg $0x0  }
0xa8: {  	s5 =	sshll.u32 s28, $0x1;
	[dreg:$0x2] =	wrdreg s3  }
0xa9: {  	[dreg:$0x3] =	wrdreg s5  }
0xaa: {  	[dreg:$0x4] =	wrdreg $0xC0  }
0xab: {  	_ =	task [dreg:s7], $0x5FFFF  }
0xac: {  	[dreg:$0x1] =	wrdreg $0xFFFFFFFF  }
0xad: {  	[dreg:$0x0] =	wrdreg $0x60  }
0xae: {  	[dreg:$0x2] =	wrdreg s24  }
0xaf: {  	[dreg:$0x3] =	wrdreg s2  }
0xb0: {  	[dreg:$0x4] =	wrdreg $0xB8000  }
0xb1: {  	[dreg:$0x5] =	wrdreg $0x9  }
0xb2: {  	_ =	task.clear_ibuf [dreg:s7], $0x6FFFF;
	_ =	strace $0x90000049  }
0xb3: {  	s29 =	simm.s32 $0x9;
	_ =	strace $0x8000004B  }
0xb4: {  	_ =	swait.ge [sflag:s29], $0x1  }
0xb5: {  	[sflag:s29] =	ssyncadd.s32 $0xFFFFFFFF  }
0xb6: {  	_ =	strace $0x9000004B  }
0xb7: {  	_ =	sfence  }
0xb8: {  	s30 =	sld [smem:$0x0];
	_ =	sdelay $0x2  }
0xb9: {  	s31 =	sshll.u32 s1, $0xD;
	s1 =	sshrl.u32 s1, $0x2  }
0xba: {  	s3 =	sand.u32 $0x4000, s31;
	s1 =	sadd.s32 s1, s30  }
0xbb: {  	s0 =	sor.u32 s3, s0;
	s1 =	sshll.u32 s1, $0x11  }
0xbc: {  	s0 =	sor.u32 s1, s0  }
0xbd: {  	s0 =	sadd.s32 $0x8F2B, s0  }
0xbe: {  	[sflag:s0] =	ssyncadd.remote.s32 $0x1  }
0xbf: {  	_ =	sfence.sel $0xFFFF  }
0xc0: {  	[dreg:$0x0] =	wrdreg $0xFFFFFFFF;
	(pc) =	sbr.abs _section_cstart, $3  }
0xc1: {  	[dreg:$0x1] =	wrdreg $0xFFFFFFFF  }
0xc2: {  	_ =	task.clear_ibuf [dreg:s7], $0x2FFFF;
	_ =	strace $0x9FFFFFFF  }
0xc3: {  	(tm) =	ssettm $0x7FFFFFFF  }
tec
execute0_lowered:
.L_overlay_start_1:
0x0: {  	(tag) =	ssettag $0x1  }
0x1: {  	s7 =	rddreg [dreg:$0x0]  }
0x2: {  	s2 =	rddreg [dreg:$0x1]  }
0x3: {  	s3 =	rddreg [dreg:$0x2]  }
0x4: {  	s0 =	rddreg [dreg:$0x3];
	s4 =	simm.s32 $0x0  }
0x5: {  	s1 =	stileid.u32;
	s5 =	srdreg.scid;
	s17 =	simm.s32 $0x3800  }
0x6: {  	s18 =	simm.s32 $0x1;
	s19 =	simm.s32 $0x7800;
	s8 =	smul.u32 $0x14000, s1  }
0x7: {  	s20 =	simm.s32 $0x2;
	[smem:$0x7FF] =	sst s4;
	s12 =	smul.u32 $0xA0, s1  }
0x8: {  	s9 =	sand.u32 $0x1, s5;
	s5 =	sadd.s32 $0x36200, s7;
	s15 =	smul.u32 $0x50000, s1  }
0x9: {  	s6 =	sadd.s32 $0x3200, s7;
	s31 =	sshll.u32 s1, $0x6;
	s10 =	smul.u32 $0x140000, s9  }
0xa: {  	_ =	strace $0x8000004A;
	s28 =	ssub.s32 $0x2, s9;
	s13 =	smul.u32 $0x78, s9  }
0xb: {  	s30 =	smul.u32 $0xFFFFFFD8, s9;
	s9 =	sor.u32 $0x1C03, s31;
	s11 =	sshrl.u32 s8, $0x3  }
0xc: {  	s14 =	sshrl.u32 s28, $0x1;
	s29 =	sshrl.u32 s15, $0x2;
	s8 =	sadd.s32 s8, s10  }
.Ltmp0:
0xd: {  	s11 =	sadd.s32 s11, s7;
	s14 =	ssub.s32 s28, s14;
	(pc) =	sbr.rel .LBB2_1-.Ltmp0, $4  }
0xe: {  	s15 =	sadd.s32 s29, s3;
	s10 =	sadd.s32 $0x3C, s30;
	s8 =	sshrl.u32 s8, $0x3  }
0xf: {  	s16 =	sadd.s32 s8, s7;
	s7 =	sadd.s32 s13, s12;
	s8 =	sadd.s32 $0xE200, s11  }
0x10: {  	s12 =	smax.u32 s14, $0x1;
	s13 =	ssub.s32 $0xFFFFFFC5, s30;
	s14 =	sshrl.u32 s15, $0x3  }
0x11: {  	s15 =	simm.s32 $0x3;
	s11 =	sadd.s32 $0x5E200, s16;
	s16 =	simm.s32 $0x80  }
.LBB2_7:
0x12: {  	s4 =	sadd.s32 $0x1, s4  }
0x13: {  	p0 =	sne.s32 s4, s12  }
.Ltmp1:
0x14: {  	[bflag:$0x0] =	sbarrier.arrive $0xFFFF;
	(pc) =	sbr.rel @!p0 .LBB2_8-.Ltmp1, $4  }
0x15: {  	[hbm:s11], [sflag:s9] =	dma.local [spmem:s14], $0x2800  }
0x16: {  	_ =	swait.ge [sflag:s15], $0x2800  }
0x17: {  	[sflag:s15] =	ssyncset.done $0x0  }
0x18: {  	[sflag:s15] =	ssyncadd.s32 $0xFFFFD800  }
.LBB2_1:
0x19: {  	[spmem:s14], [sflag:s9] =	dma.local [hbm:s8], $0x2800  }
.Ltmp2:
0x1a: {  	_ =	swait.ge [sflag:s15], $0x2800;
	(pc) =	sbr.rel .LBB2_2-.Ltmp2, $4  }
0x1b: {  	[sflag:s15] =	ssyncset.done $0x0  }
0x1c: {  	[sflag:s15] =	ssyncadd.s32 $0xFFFFD800  }
0x1d: {  	[bflag:$0x0] =	sbarrier.arrive $0xFFFF  }
0x1e: {  	s21 =	smov.u32 s10;
	s22 =	simm.s32 $0x0  }
.LBB2_5:
0x1f: {  	[sflag:s15] =	ssyncadd.s32 $0xFFFFC000  }
.LBB2_6:
0x20: {  	s22 =	sadd.s32 $0x1, s22  }
0x21: {  	p0 =	sne.s32 s22, $0x3  }
.Ltmp3:
0x22: {  	_ = 	snop;
	(pc) =	sbr.rel @!p0 .LBB2_7-.Ltmp3, $2  }
0x23: {  	_ =	sdelay $0x2  }
0x24: {  	s21 =	sadd.s32 $0xFFFFFFE4, s21  }
.LBB2_2:
0x25: {  	s23 =	smul.u32 $0x38, s22;
	_ =	sdelay $0x1  }
0x26: {  	s23 =	sadd.s32 s23, s7  }
0x27: {  	s24 =	sshll.u32 s23, $0x4  }
0x28: {  	s31 =	smul.u32 $0xFFFFFFE4, s22;
	s23 =	simm.s32 $0x0;
	s25 =	sadd.s32 s6, s24  }
0x29: {  	[tilespmem:s23], [sflag:$0x3] =	stream.linear.gather [hbm4b:s25+s23], $0x1C00, $0x38;
	[tilespmem:$0x1F800] =	vst v63  }
0x2a: {  	_ =	swait.ge [sflag:s15], $0x1C00  }
0x2b: {  	p0 =	slt.s32 s31, s13;
	s30 =	sadd.s32 s2, s24;
	[sflag:s15] =	ssyncset.done $0x0  }
.Ltmp4:
0x2c: {  	s24 =	simm.s32 $0x1C00;
	[sflag:s15] =	ssyncadd.s32 $0xFFFFE400;
	(pc) =	sbr.rel @p0 .LBB2_6-.Ltmp4, $4  }
0x2d: {  	[tilespmem:s24], [sflag:$0x3] =	stream.linear.gather [hbm4b:s30+s23], $0x1C00, $0x38;
	[tilespmem:$0x1F800] =	vst v63  }
0x2e: {  	_ =	swait.ge [sflag:s15], $0x1C00  }
0x2f: {  	[sflag:s15] =	ssyncset.done $0x0  }
0x30: {  	[sflag:s15] =	ssyncadd.s32 $0xFFFFE400  }
0x31: {  	[tilespmem:s17], [sflag:$0x1] =	stream.indirect.gather [hbm4b:s5+s16], $0x80, s23, s16, $0xb8;
	[tilespmem:$0x1F800] =	vst v63  }
0x32: {  	_ =	swait.ge [sflag:s18], $0x4000  }
0x33: {  	[sflag:s18] =	ssyncset.done $0x0  }
0x34: {  	[sflag:s18] =	ssyncadd.s32 $0xFFFFC000  }
0x35: {  	[spmem:s3] =	stream.indirect.scatter.add.f32 [tilespmem:s17], [sflag:$0x2], $0x80, s24, s16, $0xb8;
	[tilespmem:$0x1F800] =	vst v63  }
0x36: {  	s25 =	simm.s32 $0x80  }
0x37: {  	[tilespmem:s19], [sflag:$0x1] =	stream.indirect.gather [hbm4b:s5+s16], $0x80, s25, s16, $0xb8;
	[tilespmem:$0x1F800] =	vst v63  }
0x38: {  	p0 =	sgt.s32 s21, $0x1;
	s25 =	smov.u32 s21;
	_ =	swait.ge [sflag:s18], $0x4000  }
0x39: {  	s25 =	simm.s32 @!p0 $0x1;
	[sflag:s18] =	ssyncset.done $0x0  }
0x3a: {  	s25 =	smin.u32 s25, $0x1C;
	[sflag:s18] =	ssyncadd.s32 $0xFFFFC000  }
0x3b: {  	p0 =	sne.s32 s25, $0x1;
	_ =	swait.ge [sflag:s20], $0x4000  }
.Ltmp5:
0x3c: {  	[sflag:s20] =	ssyncset.done $0x0;
	(pc) =	sbr.rel @!p0 .LBB2_5-.Ltmp5, $4  }
0x3d: {  	s26 =	simm.s32 $0x1C80;
	[sflag:s20] =	ssyncadd.s32 $0xFFFFC000  }
0x3e: {  	[spmem:s3] =	stream.indirect.scatter.add.f32 [tilespmem:s19], [sflag:$0x3], $0x80, s26, s16, $0xb8;
	[tilespmem:$0x1F800] =	vst v63  }
0x3f: {  	_ =	swait.ge [sflag:s15], $0x4000  }
0x40: {  	s25 =	sadd.s32 $0xFFFFFFFF, s25;
	[sflag:s15] =	ssyncset.done $0x0  }
.LBB2_4:
0x41: {  	[sflag:s15] =	ssyncadd.s32 $0xFFFFC000;
	s23 =	sadd.s32 $0x100, s23;
	s24 =	sadd.s32 $0x100, s24  }
0x42: {  	[tilespmem:s17], [sflag:$0x1] =	stream.indirect.gather [hbm4b:s5+s16], $0x80, s23, s16, $0xb8;
	[tilespmem:$0x1F800] =	vst v63  }
0x43: {  	p0 =	sne.s32 s25, $0x1;
	s25 =	sadd.s32 $0xFFFFFFFF, s25;
	_ =	swait.ge [sflag:s18], $0x4000  }
0x44: {  	[sflag:s18] =	ssyncset.done $0x0  }
0x45: {  	[sflag:s18] =	ssyncadd.s32 $0xFFFFC000  }
0x46: {  	[spmem:s3] =	stream.indirect.scatter.add.f32 [tilespmem:s17], [sflag:$0x2], $0x80, s24, s16, $0xb8;
	[tilespmem:$0x1F800] =	vst v63  }
0x47: {  	s26 =	sadd.s32 $0x80, s23  }
0x48: {  	[tilespmem:s19], [sflag:$0x1] =	stream.indirect.gather [hbm4b:s5+s16], $0x80, s26, s16, $0xb8;
	[tilespmem:$0x1F800] =	vst v63  }
0x49: {  	_ =	swait.ge [sflag:s18], $0x4000  }
0x4a: {  	[sflag:s18] =	ssyncset.done $0x0  }
0x4b: {  	[sflag:s18] =	ssyncadd.s32 $0xFFFFC000  }
0x4c: {  	_ =	swait.ge [sflag:s20], $0x4000  }
.Ltmp6:
0x4d: {  	[sflag:s20] =	ssyncset.done $0x0;
	(pc) =	sbr.rel @p0 .LBB2_4-.Ltmp6, $4  }
0x4e: {  	s26 =	sadd.s32 $0x80, s24;
	[sflag:s20] =	ssyncadd.s32 $0xFFFFC000  }
0x4f: {  	[spmem:s3] =	stream.indirect.scatter.add.f32 [tilespmem:s19], [sflag:$0x3], $0x80, s26, s16, $0xb8;
	[tilespmem:$0x1F800] =	vst v63  }
0x50: {  	_ =	swait.ge [sflag:s15], $0x4000  }
0x51: {  	[sflag:s15] =	ssyncset.done $0x0  }
.Ltmp7:
0x52: {  	_ = 	snop;
	(pc) =	sbr.rel .LBB2_5-.Ltmp7, $1  }
0x53: {  	_ =	sdelay $0x3  }
.LBB2_8:
0x54: {  	_ =	sfence.sel $0x180000  }
0x55: {  	[bflag:$0x0] =	sbarrier.arrive $0xFFFF  }
0x56: {  	p0 =	sne.s32 s1, $0x0;
	_ =	strace $0x9000004A  }
0x57: {  	s0 =	sadd.s32 @!p0 $0x100000, s0;
	[bflag:$0x2] =	sbarrier.arrive $0xFFFF  }
0x58: {  	[sflag:s0] =	ssyncadd.tile.s32 @!p0 $0x1;
	_ =	shalt  }
.Lfunc_end2:
_tile_overlayer_lowered:
.L_overlay_start_2:
0x59: {  	(tag) =	ssettag $0x2  }
0x5a: {  	s0 =	rddreg [dreg:$0x0];
	s2 =	stileid.u32  }
0x5b: {  	s1 =	rddreg [dreg:$0x1];
	p0 =	sne.s32 s2, $0x0  }
0x5c: {  	s3 =	rddreg [dreg:$0x2];
	[bflag:$0x3] =	sbarrier.arrive $0xFFFF;
	s2 =	simm.s32 @!p0 $0x1C03  }
0x5d: {  	[timem:s3], [sflag:s2] =	dma.local @!p0 [hbm:s0], s1  }
0x5e: {  	s0 =	simm.s32 @!p0 $0x3  }
0x5f: {  	_ =	swait.ge @!p0 [sflag:s0], s1  }
0x60: {  	s1 =	ssub.s32 @!p0 $0x0, s1;
	[sflag:s0] =	ssyncset.done @!p0 $0x0  }
0x61: {  	[sflag:s0] =	ssyncadd.s32 @!p0 s1  }
0x62: {  	[bflag:$0x3] =	sbarrier.arrive $0xFFFF  }
0x63: {  	_ =	shalt  }

// kernel: kernel.16.cloned.1.call-start
scs
__scs_entry_jumppad:
0x0: {  	(pc) =	sbr.rel $0x88, $3  }
0x1: {  	(tag) =	ssettag $0x0;
	lr =	simm.s32 $0x1  }
0x2: {  	[smem:$0x3F99] =	sst lr;
	_ =	strace $0xD0000000  }
0x3: {  	_ = 	snop  }
0x4: {  	_ = 	snop  }
0x5: {  	_ = 	snop  }
0x6: {  	_ = 	snop  }
0x7: {  	_ = 	snop  }
__scs_overlays_trampoline_lowered:
0x8: {  	[smem:$0x3FA8] =	sst s0  }
0x9: {  	[smem:$0x3FA9] =	sst s1  }
0xa: {  	[smem:$0x3FAA] =	sst s2  }
0xb: {  	[smem:$0x3FAB] =	sst s3  }
0xc: {  	[smem:$0x3FAC] =	sst s4  }
0xd: {  	[smem:$0x3FAD] =	sst s5  }
0xe: {  	[smem:$0x3FAE] =	sst s6  }
0xf: {  	[smem:$0x3FAF] =	sst s7  }
0x10: {  	[smem:$0x3FB0] =	sst s8  }
0x11: {  	[smem:$0x3FB1] =	sst s9;
	s0 =	simm.s32 @!p0 $0x0  }
0x12: {  	s1 =	sld [smem:$0x3F97];
	s0 =	simm.s32 @p0 $0x1  }
0x13: {  	[smem:$0x3FB2] =	sst s0;
	s0 =	simm.s32 @!p1 $0x0  }
0x14: {  	s2 =	sld [smem:$0x3F96];
	s0 =	simm.s32 @p1 $0x1  }
0x15: {  	[smem:$0x3FB3] =	sst s0;
	s0 =	simm.s32 @!p2 $0x0  }
0x16: {  	s3 =	sld [smem:$0x3FDB];
	s0 =	simm.s32 @p2 $0x1  }
0x17: {  	s4 =	simm.s32 $0x1BF5;
	[smem:$0x3FB5] =	sst s0  }
0x18: {  	s0 =	sld [smem:$0x3F98];
	_ =	swait.ge [sflag:s4], $0x0  }
0x19: {  	s7 =	sld [smem:$0x3F99]  }
0x1a: {  	s8 =	sadd.s32 $0xFFFFE003, lr  }
0x1b: {  	s9 =	sadd.s32 $0xFFFFFEF7, lr;
	s5 =	simm.s32 $0xFFFFFFFF;
	p2 =	slt.u32 s8, $0xFFFFF086  }
0x1c: {  	p1 =	slt.u32 s9, $0xF7A;
	s5 =	simm.s32 @!p2 $0x0  }
0x1d: {  	s5 =	simm.s32 @p1 $0x1;
	p0 =	seq.s32 s7, s2  }
0x1e: {  	s7 =	smul.u32 @!p0 $0xF7A, s2;
	p2 =	seq.s32 @!p0 s5, $0x0  }
0x1f: {  	s9 =	smul.u32 $0xF7A, s1;
	s8 =	simm.s32 @!p0 $0x1BF5;
	p2 =	por !p2, p0  }
0x20: {  	[sflag:s8] =	ssyncset.s32 @!p0 $0xFFFFF086;
	s6 =	sadd.s32 @!p0 s3, s7;
	s7 =	simm.s32 @!p0 $0x108  }
0x21: {  	s3 =	sadd.s32 s3, s9;
	s6 =	sadd.s32 @!p0 $0x88, s6;
	s7 =	simm.s32 @p2 $0x1082  }
0x22: {  	[simem:s7], [sflag:s8] =	dma.local @!p0 [hbm:s6], $0xF7A  }
0x23: {  	s9 =	sor.u32 $0xD0000000, s2;
	s6 =	simm.s32 $0x108;
	_ =	swait.ge @!p0 [sflag:s8], $0x0  }
0x24: {  	s3 =	sadd.s32 $0x88, s3;
	s6 =	simm.s32 @!p1 $0x1082;
	[sflag:s4] =	ssyncset.s32 $0xFFFFF086  }
0x25: {  	[simem:s6], [sflag:s4] =	dma.local [hbm:s3], $0xF7A  }
0x26: {  	[smem:$0x3F99] =	sst s1;
	(tag) =	ssettag s2;
	_ =	strace s9  }
0x27: {  	s1 =	sld [smem:$0x3FA9]  }
0x28: {  	s2 =	sld [smem:$0x3FAA]  }
0x29: {  	s4 =	sld [smem:$0x3FAC]  }
0x2a: {  	p0 =	seq.s32 s5, $0x0;
	s5 =	sld [smem:$0x3FAD]  }
0x2b: {  	s6 =	sld [smem:$0x3FAE]  }
0x2c: {  	s7 =	sld [smem:$0x3FAF]  }
0x2d: {  	s3 =	simm.s32 $0x108;
	s8 =	sld [smem:$0x3FB0]  }
0x2e: {  	s3 =	simm.s32 @!p0 $0x1082;
	s9 =	sld [smem:$0x3FB1]  }
0x2f: {  	lr =	sadd.s32 s0, s3;
	s0 =	sld [smem:$0x3FA8]  }
0x30: {  	s3 =	sld [smem:$0x3FAB]  }
0x31: {  	[smem:$0x3FB4] =	sst s10  }
0x32: {  	s10 =	sld [smem:$0x3FB2];
	_ =	sdelay $0x3  }
0x33: {  	p0 =	seq.s32 s10, $0x1;
	s10 =	sld [smem:$0x3FB4];
	_ =	sdelay $0x3  }
0x34: {  	[smem:$0x3FB4] =	sst s10  }
0x35: {  	s10 =	sld [smem:$0x3FB3];
	_ =	sdelay $0x3  }
0x36: {  	p1 =	seq.s32 s10, $0x1;
	s10 =	sld [smem:$0x3FB4];
	_ =	sdelay $0x3  }
0x37: {  	[smem:$0x3FB4] =	sst s10  }
0x38: {  	s10 =	sld [smem:$0x3FB5]  }
0x39: {  	_ = 	snop;
	(pc) =	sbr.ind lr, $3  }
0x3a: {  	_ = 	snop  }
0x3b: {  	_ = 	snop  }
0x3c: {  	p2 =	seq.s32 s10, $0x1;
	s10 =	sld [smem:$0x3FB4]  }
0x3d: {  	_ =	shalt  }
0x3e: {  	_ =	shalt  }
0x3f: {  	_ =	shalt  }
0x40: {  	_ =	shalt  }
0x41: {  	_ =	shalt  }
0x42: {  	_ =	shalt  }
0x43: {  	_ =	shalt  }
0x44: {  	_ =	shalt  }
0x45: {  	_ =	shalt  }
0x46: {  	_ =	shalt  }
0x47: {  	_ =	shalt  }
0x48: {  	_ =	shalt  }
0x49: {  	_ =	shalt  }
0x4a: {  	_ =	shalt  }
0x4b: {  	_ =	shalt  }
0x4c: {  	_ =	shalt  }
0x4d: {  	_ =	shalt  }
0x4e: {  	_ =	shalt  }
0x4f: {  	_ =	shalt  }
0x50: {  	_ =	shalt  }
0x51: {  	_ =	shalt  }
0x52: {  	_ =	shalt  }
0x53: {  	_ =	shalt  }
0x54: {  	_ =	shalt  }
0x55: {  	_ =	shalt  }
0x56: {  	_ =	shalt  }
0x57: {  	_ =	shalt  }
0x58: {  	_ =	shalt  }
0x59: {  	_ =	shalt  }
0x5a: {  	_ =	shalt  }
0x5b: {  	_ =	shalt  }
0x5c: {  	_ =	shalt  }
0x5d: {  	_ =	shalt  }
0x5e: {  	_ =	shalt  }
0x5f: {  	_ =	shalt  }
0x60: {  	_ =	shalt  }
0x61: {  	_ =	shalt  }
0x62: {  	_ =	shalt  }
0x63: {  	_ =	shalt  }
0x64: {  	_ =	shalt  }
0x65: {  	_ =	shalt  }
0x66: {  	_ =	shalt  }
0x67: {  	_ =	shalt  }
0x68: {  	_ =	shalt  }
0x69: {  	_ =	shalt  }
0x6a: {  	_ =	shalt  }
0x6b: {  	_ =	shalt  }
0x6c: {  	_ =	shalt  }
0x6d: {  	_ =	shalt  }
0x6e: {  	_ =	shalt  }
0x6f: {  	_ =	shalt  }
0x70: {  	_ =	shalt  }
0x71: {  	_ =	shalt  }
0x72: {  	_ =	shalt  }
0x73: {  	_ =	shalt  }
0x74: {  	_ =	shalt  }
0x75: {  	_ =	shalt  }
0x76: {  	_ =	shalt  }
0x77: {  	_ =	shalt  }
0x78: {  	_ =	shalt  }
0x79: {  	_ =	shalt  }
0x7a: {  	_ =	shalt  }
0x7b: {  	_ =	shalt  }
0x7c: {  	_ =	shalt  }
0x7d: {  	_ =	shalt  }
0x7e: {  	_ =	shalt  }
0x7f: {  	_ =	shalt  }
0x80: {  	_ =	shalt  }
0x81: {  	_ =	shalt  }
0x82: {  	_ =	shalt  }
0x83: {  	_ =	shalt  }
0x84: {  	_ =	shalt  }
0x85: {  	_ =	shalt  }
0x86: {  	_ =	shalt  }
0x87: {  	_ =	shalt  }
.Lfunc_end0:
.L_simem_size_0:
called_computation.2_lowered:
.L_overlay_start_0:
0x88: {  	s2 =	sld [smem:$0x3FD9]  }
0x89: {  	s3 =	sld [smem:$0x3FFE];
	_ =	sdelay $0x1  }
0x8a: {  	s1 =	srdreg.scid  }
0x8b: {  	s0 =	sand.u32 $0x1, s1  }
0x8c: {  	s17 =	sshll.u32 s0, $0xA;
	s2 =	sadd.s32 s3, s2  }
0x8d: {  	s2 =	sadd.s32 s2, s17  }
0x8e: {  	[smem:$0x3FC0] =	sst s2  }
0x8f: {  	_ = 	snop  }
0x90: {  	s2 =	sld [smem:$0x3FD0];
	(tm) =	ssettm $0x1  }
0x91: {  	s18 =	sld [smem:$0x3FFB];
	_ =	sdelay $0x3  }
0x92: {  	_ =	strace s18  }
0x93: {  	s3 =	sld [smem:$0x3FFC];
	_ =	sdelay $0x3  }
0x94: {  	_ =	strace s3  }
0x95: {  	s3 =	sld [smem:$0x3FFD];
	_ =	sdelay $0x3  }
0x96: {  	_ =	strace s3  }
0x97: {  	_ =	strace $0x8FFFFFFF  }
0x98: {  	s19 =	sld [smem:$0x3FDB];
	_ =	sdelay $0x1  }
0x99: {  	s4 =	simm.s32 $_scs_section_size  }
0x9a: {  	s5 =	simm.s32 $_size__tile_overlayer_lowered;
	s6 =	simm.s32 $_tile_overlayer_lowered  }
0x9b: {  	s22 =	simm.s32 $0x1BFF;
	s21 =	sshll.u32 s6, $0x1;
	s3 =	sadd.s32 s4, s19  }
0x9c: {  	s7 =	simm.s32 $0x0;
	s20 =	sshll.u32 s5, $0x1;
	s5 =	sadd.s32 s21, s3  }
0x9d: {  	[timem:s7], [sflag:s22] =	dma.local [hbm:s5], s20  }
0x9e: {  	_ =	swait.ge [sflag:s22], s20  }
0x9f: {  	s4 =	ssub.s32 $0x0, s20;
	[sflag:s22] =	ssyncset.done $0x0  }
0xa0: {  	[sflag:s22] =	ssyncadd.s32 s4;
	_ =	sdelay $0x1  }
0xa1: {  	s23 =	simm.s32 $0x1B8B  }
0xa2: {  	_ =	swait.ge [sflag:s23], $0x1  }
0xa3: {  	[sflag:s23] =	ssyncset.done $0x0  }
0xa4: {  	s25 =	simm.s32 $0x1B8E;
	s24 =	sld [smem:$0x3FFE];
	[sflag:s23] =	ssyncadd.s32 $0xFFFFFFFF  }
0xa5: {  	s26 =	simm.s32 $execute0_lowered;
	[smem:$0x3FD2] =	sst s25  }
0xa6: {  	s5 =	sshll.u32 s26, $0x1;
	_ =	strace $0x8000004C;
	[dreg:$0x1] =	wrdreg $0xFFFFFFFF  }
0xa7: {  	s28 =	simm.s32 $_size_execute0_lowered;
	s3 =	sadd.s32 s3, s5;
	[dreg:$0x0] =	wrdreg $0x0  }
0xa8: {  	s5 =	sshll.u32 s28, $0x1;
	[dreg:$0x2] =	wrdreg s3  }
0xa9: {  	[dreg:$0x3] =	wrdreg s5  }
0xaa: {  	[dreg:$0x4] =	wrdreg $0xC0  }
0xab: {  	_ =	task [dreg:s7], $0x5FFFF  }
0xac: {  	[dreg:$0x1] =	wrdreg $0xFFFFFFFF  }
0xad: {  	[dreg:$0x0] =	wrdreg $0x60  }
0xae: {  	[dreg:$0x2] =	wrdreg s24  }
0xaf: {  	[dreg:$0x3] =	wrdreg s2  }
0xb0: {  	[dreg:$0x4] =	wrdreg $0xB8000  }
0xb1: {  	[dreg:$0x5] =	wrdreg $0x9  }
0xb2: {  	_ =	task.clear_ibuf [dreg:s7], $0x6FFFF;
	_ =	strace $0x9000004C  }
0xb3: {  	s29 =	simm.s32 $0x9;
	_ =	strace $0x8000004E  }
0xb4: {  	_ =	swait.ge [sflag:s29], $0x1  }
0xb5: {  	[sflag:s29] =	ssyncadd.s32 $0xFFFFFFFF  }
0xb6: {  	_ =	strace $0x9000004E  }
0xb7: {  	_ =	sfence  }
0xb8: {  	s30 =	sld [smem:$0x0];
	_ =	sdelay $0x2  }
0xb9: {  	s31 =	sshll.u32 s1, $0xD;
	s1 =	sshrl.u32 s1, $0x2  }
0xba: {  	s3 =	sand.u32 $0x4000, s31;
	s1 =	sadd.s32 s1, s30  }
0xbb: {  	s0 =	sor.u32 s3, s0;
	s1 =	sshll.u32 s1, $0x11  }
0xbc: {  	s0 =	sor.u32 s1, s0  }
0xbd: {  	s0 =	sadd.s32 $0x8F2B, s0  }
0xbe: {  	[sflag:s0] =	ssyncadd.remote.s32 $0x1  }
0xbf: {  	_ =	sfence.sel $0xFFFF  }
0xc0: {  	[dreg:$0x0] =	wrdreg $0xFFFFFFFF;
	(pc) =	sbr.abs _section_cstart, $3  }
0xc1: {  	[dreg:$0x1] =	wrdreg $0xFFFFFFFF  }
0xc2: {  	_ =	task.clear_ibuf [dreg:s7], $0x2FFFF;
	_ =	strace $0x9FFFFFFF  }
0xc3: {  	(tm) =	ssettm $0x7FFFFFFF  }
tec
execute0_lowered:
.L_overlay_start_1:
0x0: {  	(tag) =	ssettag $0x1  }
0x1: {  	s7 =	rddreg [dreg:$0x0]  }
0x2: {  	s2 =	rddreg [dreg:$0x1]  }
0x3: {  	s3 =	rddreg [dreg:$0x2]  }
0x4: {  	s0 =	rddreg [dreg:$0x3];
	s4 =	simm.s32 $0x0  }
0x5: {  	s1 =	stileid.u32;
	s5 =	srdreg.scid;
	s17 =	simm.s32 $0x3800  }
0x6: {  	s18 =	simm.s32 $0x1;
	s19 =	simm.s32 $0x7800;
	s8 =	smul.u32 $0x14000, s1  }
0x7: {  	s20 =	simm.s32 $0x2;
	[smem:$0x7FF] =	sst s4;
	s12 =	smul.u32 $0xA0, s1  }
0x8: {  	s9 =	sand.u32 $0x1, s5;
	s5 =	sadd.s32 $0x36200, s7;
	s15 =	smul.u32 $0x50000, s1  }
0x9: {  	s6 =	sadd.s32 $0x3200, s7;
	s31 =	sshll.u32 s1, $0x6;
	s10 =	smul.u32 $0x140000, s9  }
0xa: {  	_ =	strace $0x8000004D;
	s28 =	ssub.s32 $0x2, s9;
	s13 =	smul.u32 $0x78, s9  }
0xb: {  	s30 =	smul.u32 $0xFFFFFFD8, s9;
	s9 =	sor.u32 $0x1C03, s31;
	s11 =	sshrl.u32 s8, $0x3  }
0xc: {  	s14 =	sshrl.u32 s28, $0x1;
	s29 =	sshrl.u32 s15, $0x2;
	s8 =	sadd.s32 s8, s10  }
.Ltmp0:
0xd: {  	s11 =	sadd.s32 s11, s7;
	s14 =	ssub.s32 s28, s14;
	(pc) =	sbr.rel .LBB2_1-.Ltmp0, $4  }
0xe: {  	s15 =	sadd.s32 s29, s3;
	s10 =	sadd.s32 $0x3C, s30;
	s8 =	sshrl.u32 s8, $0x3  }
0xf: {  	s16 =	sadd.s32 s8, s7;
	s7 =	sadd.s32 s13, s12;
	s8 =	sadd.s32 $0xE200, s11  }
0x10: {  	s12 =	smax.u32 s14, $0x1;
	s13 =	ssub.s32 $0xFFFFFFC5, s30;
	s14 =	sshrl.u32 s15, $0x3  }
0x11: {  	s15 =	simm.s32 $0x3;
	s11 =	sadd.s32 $0x5E200, s16;
	s16 =	simm.s32 $0x80  }
.LBB2_7:
0x12: {  	s4 =	sadd.s32 $0x1, s4  }
0x13: {  	p0 =	sne.s32 s4, s12  }
.Ltmp1:
0x14: {  	[bflag:$0x0] =	sbarrier.arrive $0xFFFF;
	(pc) =	sbr.rel @!p0 .LBB2_8-.Ltmp1, $4  }
0x15: {  	[hbm:s11], [sflag:s9] =	dma.local [spmem:s14], $0x2800  }
0x16: {  	_ =	swait.ge [sflag:s15], $0x2800  }
0x17: {  	[sflag:s15] =	ssyncset.done $0x0  }
0x18: {  	[sflag:s15] =	ssyncadd.s32 $0xFFFFD800  }
.LBB2_1:
0x19: {  	[spmem:s14], [sflag:s9] =	dma.local [hbm:s8], $0x2800  }
.Ltmp2:
0x1a: {  	_ =	swait.ge [sflag:s15], $0x2800;
	(pc) =	sbr.rel .LBB2_2-.Ltmp2, $4  }
0x1b: {  	[sflag:s15] =	ssyncset.done $0x0  }
0x1c: {  	[sflag:s15] =	ssyncadd.s32 $0xFFFFD800  }
0x1d: {  	[bflag:$0x0] =	sbarrier.arrive $0xFFFF  }
0x1e: {  	s21 =	smov.u32 s10;
	s22 =	simm.s32 $0x0  }
.LBB2_5:
0x1f: {  	[sflag:s15] =	ssyncadd.s32 $0xFFFFC000  }
.LBB2_6:
0x20: {  	s22 =	sadd.s32 $0x1, s22  }
0x21: {  	p0 =	sne.s32 s22, $0x3  }
.Ltmp3:
0x22: {  	_ = 	snop;
	(pc) =	sbr.rel @!p0 .LBB2_7-.Ltmp3, $2  }
0x23: {  	_ =	sdelay $0x2  }
0x24: {  	s21 =	sadd.s32 $0xFFFFFFE4, s21  }
.LBB2_2:
0x25: {  	s23 =	smul.u32 $0x38, s22;
	_ =	sdelay $0x1  }
0x26: {  	s23 =	sadd.s32 s23, s7  }
0x27: {  	s24 =	sshll.u32 s23, $0x4  }
0x28: {  	s31 =	smul.u32 $0xFFFFFFE4, s22;
	s23 =	simm.s32 $0x0;
	s25 =	sadd.s32 s6, s24  }
0x29: {  	[tilespmem:s23], [sflag:$0x3] =	stream.linear.gather [hbm4b:s25+s23], $0x1C00, $0x38;
	[tilespmem:$0x1F800] =	vst v63  }
0x2a: {  	_ =	swait.ge [sflag:s15], $0x1C00  }
0x2b: {  	p0 =	slt.s32 s31, s13;
	s30 =	sadd.s32 s2, s24;
	[sflag:s15] =	ssyncset.done $0x0  }
.Ltmp4:
0x2c: {  	s24 =	simm.s32 $0x1C00;
	[sflag:s15] =	ssyncadd.s32 $0xFFFFE400;
	(pc) =	sbr.rel @p0 .LBB2_6-.Ltmp4, $4  }
0x2d: {  	[tilespmem:s24], [sflag:$0x3] =	stream.linear.gather [hbm4b:s30+s23], $0x1C00, $0x38;
	[tilespmem:$0x1F800] =	vst v63  }
0x2e: {  	_ =	swait.ge [sflag:s15], $0x1C00  }
0x2f: {  	[sflag:s15] =	ssyncset.done $0x0  }
0x30: {  	[sflag:s15] =	ssyncadd.s32 $0xFFFFE400  }
0x31: {  	[tilespmem:s17], [sflag:$0x1] =	stream.indirect.gather [hbm4b:s5+s16], $0x80, s23, s16, $0xb8;
	[tilespmem:$0x1F800] =	vst v63  }
0x32: {  	_ =	swait.ge [sflag:s18], $0x4000  }
0x33: {  	[sflag:s18] =	ssyncset.done $0x0  }
0x34: {  	[sflag:s18] =	ssyncadd.s32 $0xFFFFC000  }
0x35: {  	[spmem:s3] =	stream.indirect.scatter.add.f32 [tilespmem:s17], [sflag:$0x2], $0x80, s24, s16, $0xb8;
	[tilespmem:$0x1F800] =	vst v63  }
0x36: {  	s25 =	simm.s32 $0x80  }
0x37: {  	[tilespmem:s19], [sflag:$0x1] =	stream.indirect.gather [hbm4b:s5+s16], $0x80, s25, s16, $0xb8;
	[tilespmem:$0x1F800] =	vst v63  }
0x38: {  	p0 =	sgt.s32 s21, $0x1;
	s25 =	smov.u32 s21;
	_ =	swait.ge [sflag:s18], $0x4000  }
0x39: {  	s25 =	simm.s32 @!p0 $0x1;
	[sflag:s18] =	ssyncset.done $0x0  }
0x3a: {  	s25 =	smin.u32 s25, $0x1C;
	[sflag:s18] =	ssyncadd.s32 $0xFFFFC000  }
0x3b: {  	p0 =	sne.s32 s25, $0x1;
	_ =	swait.ge [sflag:s20], $0x4000  }
.Ltmp5:
0x3c: {  	[sflag:s20] =	ssyncset.done $0x0;
	(pc) =	sbr.rel @!p0 .LBB2_5-.Ltmp5, $4  }
0x3d: {  	s26 =	simm.s32 $0x1C80;
	[sflag:s20] =	ssyncadd.s32 $0xFFFFC000  }
0x3e: {  	[spmem:s3] =	stream.indirect.scatter.add.f32 [tilespmem:s19], [sflag:$0x3], $0x80, s26, s16, $0xb8;
	[tilespmem:$0x1F800] =	vst v63  }
0x3f: {  	_ =	swait.ge [sflag:s15], $0x4000  }
0x40: {  	s25 =	sadd.s32 $0xFFFFFFFF, s25;
	[sflag:s15] =	ssyncset.done $0x0  }
.LBB2_4:
0x41: {  	[sflag:s15] =	ssyncadd.s32 $0xFFFFC000;
	s23 =	sadd.s32 $0x100, s23;
	s24 =	sadd.s32 $0x100, s24  }
0x42: {  	[tilespmem:s17], [sflag:$0x1] =	stream.indirect.gather [hbm4b:s5+s16], $0x80, s23, s16, $0xb8;
	[tilespmem:$0x1F800] =	vst v63  }
0x43: {  	p0 =	sne.s32 s25, $0x1;
	s25 =	sadd.s32 $0xFFFFFFFF, s25;
	_ =	swait.ge [sflag:s18], $0x4000  }
0x44: {  	[sflag:s18] =	ssyncset.done $0x0  }
0x45: {  	[sflag:s18] =	ssyncadd.s32 $0xFFFFC000  }
0x46: {  	[spmem:s3] =	stream.indirect.scatter.add.f32 [tilespmem:s17], [sflag:$0x2], $0x80, s24, s16, $0xb8;
	[tilespmem:$0x1F800] =	vst v63  }
0x47: {  	s26 =	sadd.s32 $0x80, s23  }
0x48: {  	[tilespmem:s19], [sflag:$0x1] =	stream.indirect.gather [hbm4b:s5+s16], $0x80, s26, s16, $0xb8;
	[tilespmem:$0x1F800] =	vst v63  }
0x49: {  	_ =	swait.ge [sflag:s18], $0x4000  }
0x4a: {  	[sflag:s18] =	ssyncset.done $0x0  }
0x4b: {  	[sflag:s18] =	ssyncadd.s32 $0xFFFFC000  }
0x4c: {  	_ =	swait.ge [sflag:s20], $0x4000  }
.Ltmp6:
0x4d: {  	[sflag:s20] =	ssyncset.done $0x0;
	(pc) =	sbr.rel @p0 .LBB2_4-.Ltmp6, $4  }
0x4e: {  	s26 =	sadd.s32 $0x80, s24;
	[sflag:s20] =	ssyncadd.s32 $0xFFFFC000  }
0x4f: {  	[spmem:s3] =	stream.indirect.scatter.add.f32 [tilespmem:s19], [sflag:$0x3], $0x80, s26, s16, $0xb8;
	[tilespmem:$0x1F800] =	vst v63  }
0x50: {  	_ =	swait.ge [sflag:s15], $0x4000  }
0x51: {  	[sflag:s15] =	ssyncset.done $0x0  }
.Ltmp7:
0x52: {  	_ = 	snop;
	(pc) =	sbr.rel .LBB2_5-.Ltmp7, $1  }
0x53: {  	_ =	sdelay $0x3  }
.LBB2_8:
0x54: {  	_ =	sfence.sel $0x180000  }
0x55: {  	[bflag:$0x0] =	sbarrier.arrive $0xFFFF  }
0x56: {  	p0 =	sne.s32 s1, $0x0;
	_ =	strace $0x9000004D  }
0x57: {  	s0 =	sadd.s32 @!p0 $0x100000, s0;
	[bflag:$0x2] =	sbarrier.arrive $0xFFFF  }
0x58: {  	[sflag:s0] =	ssyncadd.tile.s32 @!p0 $0x1;
	_ =	shalt  }
.Lfunc_end2:
_tile_overlayer_lowered:
.L_overlay_start_2:
0x59: {  	(tag) =	ssettag $0x2  }
0x5a: {  	s0 =	rddreg [dreg:$0x0];
	s2 =	stileid.u32  }
0x5b: {  	s1 =	rddreg [dreg:$0x1];
	p0 =	sne.s32 s2, $0x0  }
0x5c: {  	s3 =	rddreg [dreg:$0x2];
	[bflag:$0x3] =	sbarrier.arrive $0xFFFF;
	s2 =	simm.s32 @!p0 $0x1C03  }
0x5d: {  	[timem:s3], [sflag:s2] =	dma.local @!p0 [hbm:s0], s1  }
0x5e: {  	s0 =	simm.s32 @!p0 $0x3  }
0x5f: {  	_ =	swait.ge @!p0 [sflag:s0], s1  }
0x60: {  	s1 =	ssub.s32 @!p0 $0x0, s1;
	[sflag:s0] =	ssyncset.done @!p0 $0x0  }
0x61: {  	[sflag:s0] =	ssyncadd.s32 @!p0 s1  }
0x62: {  	[bflag:$0x3] =	sbarrier.arrive $0xFFFF  }
0x63: {  	_ =	shalt  }

// kernel: kernel.19.cloned.1.call-start
scs
__scs_entry_jumppad:
0x0: {  	(pc) =	sbr.rel $0x88, $3  }
0x1: {  	(tag) =	ssettag $0x0;
	lr =	simm.s32 $0x1  }
0x2: {  	[smem:$0x3F99] =	sst lr;
	_ =	strace $0xD0000000  }
0x3: {  	_ = 	snop  }
0x4: {  	_ = 	snop  }
0x5: {  	_ = 	snop  }
0x6: {  	_ = 	snop  }
0x7: {  	_ = 	snop  }
__scs_overlays_trampoline_lowered:
0x8: {  	[smem:$0x3FA8] =	sst s0  }
0x9: {  	[smem:$0x3FA9] =	sst s1  }
0xa: {  	[smem:$0x3FAA] =	sst s2  }
0xb: {  	[smem:$0x3FAB] =	sst s3  }
0xc: {  	[smem:$0x3FAC] =	sst s4  }
0xd: {  	[smem:$0x3FAD] =	sst s5  }
0xe: {  	[smem:$0x3FAE] =	sst s6  }
0xf: {  	[smem:$0x3FAF] =	sst s7  }
0x10: {  	[smem:$0x3FB0] =	sst s8  }
0x11: {  	[smem:$0x3FB1] =	sst s9;
	s0 =	simm.s32 @!p0 $0x0  }
0x12: {  	s1 =	sld [smem:$0x3F97];
	s0 =	simm.s32 @p0 $0x1  }
0x13: {  	[smem:$0x3FB2] =	sst s0;
	s0 =	simm.s32 @!p1 $0x0  }
0x14: {  	s2 =	sld [smem:$0x3F96];
	s0 =	simm.s32 @p1 $0x1  }
0x15: {  	[smem:$0x3FB3] =	sst s0;
	s0 =	simm.s32 @!p2 $0x0  }
0x16: {  	s3 =	sld [smem:$0x3FDB];
	s0 =	simm.s32 @p2 $0x1  }
0x17: {  	s4 =	simm.s32 $0x1BF5;
	[smem:$0x3FB5] =	sst s0  }
0x18: {  	s0 =	sld [smem:$0x3F98];
	_ =	swait.ge [sflag:s4], $0x0  }
0x19: {  	s7 =	sld [smem:$0x3F99]  }
0x1a: {  	s8 =	sadd.s32 $0xFFFFE003, lr  }
0x1b: {  	s9 =	sadd.s32 $0xFFFFFEF7, lr;
	s5 =	simm.s32 $0xFFFFFFFF;
	p2 =	slt.u32 s8, $0xFFFFF086  }
0x1c: {  	p1 =	slt.u32 s9, $0xF7A;
	s5 =	simm.s32 @!p2 $0x0  }
0x1d: {  	s5 =	simm.s32 @p1 $0x1;
	p0 =	seq.s32 s7, s2  }
0x1e: {  	s7 =	smul.u32 @!p0 $0xF7A, s2;
	p2 =	seq.s32 @!p0 s5, $0x0  }
0x1f: {  	s9 =	smul.u32 $0xF7A, s1;
	s8 =	simm.s32 @!p0 $0x1BF5;
	p2 =	por !p2, p0  }
0x20: {  	[sflag:s8] =	ssyncset.s32 @!p0 $0xFFFFF086;
	s6 =	sadd.s32 @!p0 s3, s7;
	s7 =	simm.s32 @!p0 $0x108  }
0x21: {  	s3 =	sadd.s32 s3, s9;
	s6 =	sadd.s32 @!p0 $0x88, s6;
	s7 =	simm.s32 @p2 $0x1082  }
0x22: {  	[simem:s7], [sflag:s8] =	dma.local @!p0 [hbm:s6], $0xF7A  }
0x23: {  	s9 =	sor.u32 $0xD0000000, s2;
	s6 =	simm.s32 $0x108;
	_ =	swait.ge @!p0 [sflag:s8], $0x0  }
0x24: {  	s3 =	sadd.s32 $0x88, s3;
	s6 =	simm.s32 @!p1 $0x1082;
	[sflag:s4] =	ssyncset.s32 $0xFFFFF086  }
0x25: {  	[simem:s6], [sflag:s4] =	dma.local [hbm:s3], $0xF7A  }
0x26: {  	[smem:$0x3F99] =	sst s1;
	(tag) =	ssettag s2;
	_ =	strace s9  }
0x27: {  	s1 =	sld [smem:$0x3FA9]  }
0x28: {  	s2 =	sld [smem:$0x3FAA]  }
0x29: {  	s4 =	sld [smem:$0x3FAC]  }
0x2a: {  	p0 =	seq.s32 s5, $0x0;
	s5 =	sld [smem:$0x3FAD]  }
0x2b: {  	s6 =	sld [smem:$0x3FAE]  }
0x2c: {  	s7 =	sld [smem:$0x3FAF]  }
0x2d: {  	s3 =	simm.s32 $0x108;
	s8 =	sld [smem:$0x3FB0]  }
0x2e: {  	s3 =	simm.s32 @!p0 $0x1082;
	s9 =	sld [smem:$0x3FB1]  }
0x2f: {  	lr =	sadd.s32 s0, s3;
	s0 =	sld [smem:$0x3FA8]  }
0x30: {  	s3 =	sld [smem:$0x3FAB]  }
0x31: {  	[smem:$0x3FB4] =	sst s10  }
0x32: {  	s10 =	sld [smem:$0x3FB2];
	_ =	sdelay $0x3  }
0x33: {  	p0 =	seq.s32 s10, $0x1;
	s10 =	sld [smem:$0x3FB4];
	_ =	sdelay $0x3  }
0x34: {  	[smem:$0x3FB4] =	sst s10  }
0x35: {  	s10 =	sld [smem:$0x3FB3];
	_ =	sdelay $0x3  }
0x36: {  	p1 =	seq.s32 s10, $0x1;
	s10 =	sld [smem:$0x3FB4];
	_ =	sdelay $0x3  }
0x37: {  	[smem:$0x3FB4] =	sst s10  }
0x38: {  	s10 =	sld [smem:$0x3FB5]  }
0x39: {  	_ = 	snop;
	(pc) =	sbr.ind lr, $3  }
0x3a: {  	_ = 	snop  }
0x3b: {  	_ = 	snop  }
0x3c: {  	p2 =	seq.s32 s10, $0x1;
	s10 =	sld [smem:$0x3FB4]  }
0x3d: {  	_ =	shalt  }
0x3e: {  	_ =	shalt  }
0x3f: {  	_ =	shalt  }
0x40: {  	_ =	shalt  }
0x41: {  	_ =	shalt  }
0x42: {  	_ =	shalt  }
0x43: {  	_ =	shalt  }
0x44: {  	_ =	shalt  }
0x45: {  	_ =	shalt  }
0x46: {  	_ =	shalt  }
0x47: {  	_ =	shalt  }
0x48: {  	_ =	shalt  }
0x49: {  	_ =	shalt  }
0x4a: {  	_ =	shalt  }
0x4b: {  	_ =	shalt  }
0x4c: {  	_ =	shalt  }
0x4d: {  	_ =	shalt  }
0x4e: {  	_ =	shalt  }
0x4f: {  	_ =	shalt  }
0x50: {  	_ =	shalt  }
0x51: {  	_ =	shalt  }
0x52: {  	_ =	shalt  }
0x53: {  	_ =	shalt  }
0x54: {  	_ =	shalt  }
0x55: {  	_ =	shalt  }
0x56: {  	_ =	shalt  }
0x57: {  	_ =	shalt  }
0x58: {  	_ =	shalt  }
0x59: {  	_ =	shalt  }
0x5a: {  	_ =	shalt  }
0x5b: {  	_ =	shalt  }
0x5c: {  	_ =	shalt  }
0x5d: {  	_ =	shalt  }
0x5e: {  	_ =	shalt  }
0x5f: {  	_ =	shalt  }
0x60: {  	_ =	shalt  }
0x61: {  	_ =	shalt  }
0x62: {  	_ =	shalt  }
0x63: {  	_ =	shalt  }
0x64: {  	_ =	shalt  }
0x65: {  	_ =	shalt  }
0x66: {  	_ =	shalt  }
0x67: {  	_ =	shalt  }
0x68: {  	_ =	shalt  }
0x69: {  	_ =	shalt  }
0x6a: {  	_ =	shalt  }
0x6b: {  	_ =	shalt  }
0x6c: {  	_ =	shalt  }
0x6d: {  	_ =	shalt  }
0x6e: {  	_ =	shalt  }
0x6f: {  	_ =	shalt  }
0x70: {  	_ =	shalt  }
0x71: {  	_ =	shalt  }
0x72: {  	_ =	shalt  }
0x73: {  	_ =	shalt  }
0x74: {  	_ =	shalt  }
0x75: {  	_ =	shalt  }
0x76: {  	_ =	shalt  }
0x77: {  	_ =	shalt  }
0x78: {  	_ =	shalt  }
0x79: {  	_ =	shalt  }
0x7a: {  	_ =	shalt  }
0x7b: {  	_ =	shalt  }
0x7c: {  	_ =	shalt  }
0x7d: {  	_ =	shalt  }
0x7e: {  	_ =	shalt  }
0x7f: {  	_ =	shalt  }
0x80: {  	_ =	shalt  }
0x81: {  	_ =	shalt  }
0x82: {  	_ =	shalt  }
0x83: {  	_ =	shalt  }
0x84: {  	_ =	shalt  }
0x85: {  	_ =	shalt  }
0x86: {  	_ =	shalt  }
0x87: {  	_ =	shalt  }
.Lfunc_end0:
.L_simem_size_0:
called_computation.3_lowered:
.L_overlay_start_0:
0x88: {  	s2 =	sld [smem:$0x3FD9]  }
0x89: {  	s3 =	sld [smem:$0x3FFE];
	_ =	sdelay $0x1  }
0x8a: {  	s1 =	srdreg.scid  }
0x8b: {  	s0 =	sand.u32 $0x1, s1  }
0x8c: {  	s17 =	sshll.u32 s0, $0xA;
	s2 =	sadd.s32 s3, s2  }
0x8d: {  	s2 =	sadd.s32 s2, s17  }
0x8e: {  	[smem:$0x3FC0] =	sst s2  }
0x8f: {  	_ = 	snop  }
0x90: {  	s2 =	sld [smem:$0x3FD0];
	(tm) =	ssettm $0x1  }
0x91: {  	s18 =	sld [smem:$0x3FFB];
	_ =	sdelay $0x3  }
0x92: {  	_ =	strace s18  }
0x93: {  	s3 =	sld [smem:$0x3FFC];
	_ =	sdelay $0x3  }
0x94: {  	_ =	strace s3  }
0x95: {  	s3 =	sld [smem:$0x3FFD];
	_ =	sdelay $0x3  }
0x96: {  	_ =	strace s3  }
0x97: {  	_ =	strace $0x8FFFFFFF  }
0x98: {  	s19 =	sld [smem:$0x3FDB];
	_ =	sdelay $0x1  }
0x99: {  	s4 =	simm.s32 $_scs_section_size  }
0x9a: {  	s5 =	simm.s32 $_size__tile_overlayer_lowered;
	s6 =	simm.s32 $_tile_overlayer_lowered  }
0x9b: {  	s22 =	simm.s32 $0x1BFF;
	s21 =	sshll.u32 s6, $0x1;
	s3 =	sadd.s32 s4, s19  }
0x9c: {  	s7 =	simm.s32 $0x0;
	s20 =	sshll.u32 s5, $0x1;
	s5 =	sadd.s32 s21, s3  }
0x9d: {  	[timem:s7], [sflag:s22] =	dma.local [hbm:s5], s20  }
0x9e: {  	_ =	swait.ge [sflag:s22], s20  }
0x9f: {  	s4 =	ssub.s32 $0x0, s20;
	[sflag:s22] =	ssyncset.done $0x0  }
0xa0: {  	[sflag:s22] =	ssyncadd.s32 s4;
	_ =	sdelay $0x1  }
0xa1: {  	s23 =	simm.s32 $0x1B8B  }
0xa2: {  	_ =	swait.ge [sflag:s23], $0x1  }
0xa3: {  	[sflag:s23] =	ssyncset.done $0x0  }
0xa4: {  	s25 =	simm.s32 $0x1B8E;
	s24 =	sld [smem:$0x3FFE];
	[sflag:s23] =	ssyncadd.s32 $0xFFFFFFFF  }
0xa5: {  	s26 =	simm.s32 $execute0_lowered;
	[smem:$0x3FD2] =	sst s25  }
0xa6: {  	s5 =	sshll.u32 s26, $0x1;
	_ =	strace $0x8000004F;
	[dreg:$0x1] =	wrdreg $0xFFFFFFFF  }
0xa7: {  	s28 =	simm.s32 $_size_execute0_lowered;
	s3 =	sadd.s32 s3, s5;
	[dreg:$0x0] =	wrdreg $0x0  }
0xa8: {  	s5 =	sshll.u32 s28, $0x1;
	[dreg:$0x2] =	wrdreg s3  }
0xa9: {  	[dreg:$0x3] =	wrdreg s5  }
0xaa: {  	[dreg:$0x4] =	wrdreg $0xC0  }
0xab: {  	_ =	task [dreg:s7], $0x5FFFF  }
0xac: {  	[dreg:$0x1] =	wrdreg $0xFFFFFFFF  }
0xad: {  	[dreg:$0x0] =	wrdreg $0x60  }
0xae: {  	[dreg:$0x2] =	wrdreg s24  }
0xaf: {  	[dreg:$0x3] =	wrdreg s2  }
0xb0: {  	[dreg:$0x4] =	wrdreg $0xB8000  }
0xb1: {  	[dreg:$0x5] =	wrdreg $0x9  }
0xb2: {  	_ =	task.clear_ibuf [dreg:s7], $0x6FFFF;
	_ =	strace $0x9000004F  }
0xb3: {  	s29 =	simm.s32 $0x9;
	_ =	strace $0x80000051  }
0xb4: {  	_ =	swait.ge [sflag:s29], $0x1  }
0xb5: {  	[sflag:s29] =	ssyncadd.s32 $0xFFFFFFFF  }
0xb6: {  	_ =	strace $0x90000051  }
0xb7: {  	_ =	sfence  }
0xb8: {  	s30 =	sld [smem:$0x0];
	_ =	sdelay $0x2  }
0xb9: {  	s31 =	sshll.u32 s1, $0xD;
	s1 =	sshrl.u32 s1, $0x2  }
0xba: {  	s3 =	sand.u32 $0x4000, s31;
	s1 =	sadd.s32 s1, s30  }
0xbb: {  	s0 =	sor.u32 s3, s0;
	s1 =	sshll.u32 s1, $0x11  }
0xbc: {  	s0 =	sor.u32 s1, s0  }
0xbd: {  	s0 =	sadd.s32 $0x8F2B, s0  }
0xbe: {  	[sflag:s0] =	ssyncadd.remote.s32 $0x1  }
0xbf: {  	_ =	sfence.sel $0xFFFF  }
0xc0: {  	[dreg:$0x0] =	wrdreg $0xFFFFFFFF;
	(pc) =	sbr.abs _section_cstart, $3  }
0xc1: {  	[dreg:$0x1] =	wrdreg $0xFFFFFFFF  }
0xc2: {  	_ =	task.clear_ibuf [dreg:s7], $0x2FFFF;
	_ =	strace $0x9FFFFFFF  }
0xc3: {  	(tm) =	ssettm $0x7FFFFFFF  }
tec
execute0_lowered:
.L_overlay_start_1:
0x0: {  	(tag) =	ssettag $0x1  }
0x1: {  	s7 =	rddreg [dreg:$0x0]  }
0x2: {  	s2 =	rddreg [dreg:$0x1]  }
0x3: {  	s3 =	rddreg [dreg:$0x2]  }
0x4: {  	s0 =	rddreg [dreg:$0x3];
	s4 =	simm.s32 $0x0  }
0x5: {  	s1 =	stileid.u32;
	s5 =	srdreg.scid;
	s17 =	simm.s32 $0x3800  }
0x6: {  	s18 =	simm.s32 $0x1;
	s19 =	simm.s32 $0x7800;
	s8 =	smul.u32 $0x14000, s1  }
0x7: {  	s20 =	simm.s32 $0x2;
	[smem:$0x7FF] =	sst s4;
	s12 =	smul.u32 $0xA0, s1  }
0x8: {  	s9 =	sand.u32 $0x1, s5;
	s5 =	sadd.s32 $0x36200, s7;
	s15 =	smul.u32 $0x50000, s1  }
0x9: {  	s6 =	sadd.s32 $0x3200, s7;
	s31 =	sshll.u32 s1, $0x6;
	s10 =	smul.u32 $0x140000, s9  }
0xa: {  	_ =	strace $0x80000050;
	s28 =	ssub.s32 $0x2, s9;
	s13 =	smul.u32 $0x78, s9  }
0xb: {  	s30 =	smul.u32 $0xFFFFFFD8, s9;
	s9 =	sor.u32 $0x1C03, s31;
	s11 =	sshrl.u32 s8, $0x3  }
0xc: {  	s14 =	sshrl.u32 s28, $0x1;
	s29 =	sshrl.u32 s15, $0x2;
	s8 =	sadd.s32 s8, s10  }
.Ltmp0:
0xd: {  	s11 =	sadd.s32 s11, s7;
	s14 =	ssub.s32 s28, s14;
	(pc) =	sbr.rel .LBB2_1-.Ltmp0, $4  }
0xe: {  	s15 =	sadd.s32 s29, s3;
	s10 =	sadd.s32 $0x3C, s30;
	s8 =	sshrl.u32 s8, $0x3  }
0xf: {  	s16 =	sadd.s32 s8, s7;
	s7 =	sadd.s32 s13, s12;
	s8 =	sadd.s32 $0xE200, s11  }
0x10: {  	s12 =	smax.u32 s14, $0x1;
	s13 =	ssub.s32 $0xFFFFFFC5, s30;
	s14 =	sshrl.u32 s15, $0x3  }
0x11: {  	s15 =	simm.s32 $0x3;
	s11 =	sadd.s32 $0x5E200, s16;
	s16 =	simm.s32 $0x80  }
.LBB2_7:
0x12: {  	s4 =	sadd.s32 $0x1, s4  }
0x13: {  	p0 =	sne.s32 s4, s12  }
.Ltmp1:
0x14: {  	[bflag:$0x0] =	sbarrier.arrive $0xFFFF;
	(pc) =	sbr.rel @!p0 .LBB2_8-.Ltmp1, $4  }
0x15: {  	[hbm:s11], [sflag:s9] =	dma.local [spmem:s14], $0x2800  }
0x16: {  	_ =	swait.ge [sflag:s15], $0x2800  }
0x17: {  	[sflag:s15] =	ssyncset.done $0x0  }
0x18: {  	[sflag:s15] =	ssyncadd.s32 $0xFFFFD800  }
.LBB2_1:
0x19: {  	[spmem:s14], [sflag:s9] =	dma.local [hbm:s8], $0x2800  }
.Ltmp2:
0x1a: {  	_ =	swait.ge [sflag:s15], $0x2800;
	(pc) =	sbr.rel .LBB2_2-.Ltmp2, $4  }
0x1b: {  	[sflag:s15] =	ssyncset.done $0x0  }
0x1c: {  	[sflag:s15] =	ssyncadd.s32 $0xFFFFD800  }
0x1d: {  	[bflag:$0x0] =	sbarrier.arrive $0xFFFF  }
0x1e: {  	s21 =	smov.u32 s10;
	s22 =	simm.s32 $0x0  }
.LBB2_5:
0x1f: {  	[sflag:s15] =	ssyncadd.s32 $0xFFFFC000  }
.LBB2_6:
0x20: {  	s22 =	sadd.s32 $0x1, s22  }
0x21: {  	p0 =	sne.s32 s22, $0x3  }
.Ltmp3:
0x22: {  	_ = 	snop;
	(pc) =	sbr.rel @!p0 .LBB2_7-.Ltmp3, $2  }
0x23: {  	_ =	sdelay $0x2  }
0x24: {  	s21 =	sadd.s32 $0xFFFFFFE4, s21  }
.LBB2_2:
0x25: {  	s23 =	smul.u32 $0x38, s22;
	_ =	sdelay $0x1  }
0x26: {  	s23 =	sadd.s32 s23, s7  }
0x27: {  	s24 =	sshll.u32 s23, $0x4  }
0x28: {  	s31 =	smul.u32 $0xFFFFFFE4, s22;
	s23 =	simm.s32 $0x0;
	s25 =	sadd.s32 s6, s24  }
0x29: {  	[tilespmem:s23], [sflag:$0x3] =	stream.linear.gather [hbm4b:s25+s23], $0x1C00, $0x38;
	[tilespmem:$0x1F800] =	vst v63  }
0x2a: {  	_ =	swait.ge [sflag:s15], $0x1C00  }
0x2b: {  	p0 =	slt.s32 s31, s13;
	s30 =	sadd.s32 s2, s24;
	[sflag:s15] =	ssyncset.done $0x0  }
.Ltmp4:
0x2c: {  	s24 =	simm.s32 $0x1C00;
	[sflag:s15] =	ssyncadd.s32 $0xFFFFE400;
	(pc) =	sbr.rel @p0 .LBB2_6-.Ltmp4, $4  }
0x2d: {  	[tilespmem:s24], [sflag:$0x3] =	stream.linear.gather [hbm4b:s30+s23], $0x1C00, $0x38;
	[tilespmem:$0x1F800] =	vst v63  }
0x2e: {  	_ =	swait.ge [sflag:s15], $0x1C00  }
0x2f: {  	[sflag:s15] =	ssyncset.done $0x0  }
0x30: {  	[sflag:s15] =	ssyncadd.s32 $0xFFFFE400  }
0x31: {  	[tilespmem:s17], [sflag:$0x1] =	stream.indirect.gather [hbm4b:s5+s16], $0x80, s23, s16, $0xb8;
	[tilespmem:$0x1F800] =	vst v63  }
0x32: {  	_ =	swait.ge [sflag:s18], $0x4000  }
0x33: {  	[sflag:s18] =	ssyncset.done $0x0  }
0x34: {  	[sflag:s18] =	ssyncadd.s32 $0xFFFFC000  }
0x35: {  	[spmem:s3] =	stream.indirect.scatter.add.f32 [tilespmem:s17], [sflag:$0x2], $0x80, s24, s16, $0xb8;
	[tilespmem:$0x1F800] =	vst v63  }
0x36: {  	s25 =	simm.s32 $0x80  }
0x37: {  	[tilespmem:s19], [sflag:$0x1] =	stream.indirect.gather [hbm4b:s5+s16], $0x80, s25, s16, $0xb8;
	[tilespmem:$0x1F800] =	vst v63  }
0x38: {  	p0 =	sgt.s32 s21, $0x1;
	s25 =	smov.u32 s21;
	_ =	swait.ge [sflag:s18], $0x4000  }
0x39: {  	s25 =	simm.s32 @!p0 $0x1;
	[sflag:s18] =	ssyncset.done $0x0  }
0x3a: {  	s25 =	smin.u32 s25, $0x1C;
	[sflag:s18] =	ssyncadd.s32 $0xFFFFC000  }
0x3b: {  	p0 =	sne.s32 s25, $0x1;
	_ =	swait.ge [sflag:s20], $0x4000  }
.Ltmp5:
0x3c: {  	[sflag:s20] =	ssyncset.done $0x0;
	(pc) =	sbr.rel @!p0 .LBB2_5-.Ltmp5, $4  }
0x3d: {  	s26 =	simm.s32 $0x1C80;
	[sflag:s20] =	ssyncadd.s32 $0xFFFFC000  }
0x3e: {  	[spmem:s3] =	stream.indirect.scatter.add.f32 [tilespmem:s19], [sflag:$0x3], $0x80, s26, s16, $0xb8;
	[tilespmem:$0x1F800] =	vst v63  }
0x3f: {  	_ =	swait.ge [sflag:s15], $0x4000  }
0x40: {  	s25 =	sadd.s32 $0xFFFFFFFF, s25;
	[sflag:s15] =	ssyncset.done $0x0  }
.LBB2_4:
0x41: {  	[sflag:s15] =	ssyncadd.s32 $0xFFFFC000;
	s23 =	sadd.s32 $0x100, s23;
	s24 =	sadd.s32 $0x100, s24  }
0x42: {  	[tilespmem:s17], [sflag:$0x1] =	stream.indirect.gather [hbm4b:s5+s16], $0x80, s23, s16, $0xb8;
	[tilespmem:$0x1F800] =	vst v63  }
0x43: {  	p0 =	sne.s32 s25, $0x1;
	s25 =	sadd.s32 $0xFFFFFFFF, s25;
	_ =	swait.ge [sflag:s18], $0x4000  }
0x44: {  	[sflag:s18] =	ssyncset.done $0x0  }
0x45: {  	[sflag:s18] =	ssyncadd.s32 $0xFFFFC000  }
0x46: {  	[spmem:s3] =	stream.indirect.scatter.add.f32 [tilespmem:s17], [sflag:$0x2], $0x80, s24, s16, $0xb8;
	[tilespmem:$0x1F800] =	vst v63  }
0x47: {  	s26 =	sadd.s32 $0x80, s23  }
0x48: {  	[tilespmem:s19], [sflag:$0x1] =	stream.indirect.gather [hbm4b:s5+s16], $0x80, s26, s16, $0xb8;
	[tilespmem:$0x1F800] =	vst v63  }
0x49: {  	_ =	swait.ge [sflag:s18], $0x4000  }
0x4a: {  	[sflag:s18] =	ssyncset.done $0x0  }
0x4b: {  	[sflag:s18] =	ssyncadd.s32 $0xFFFFC000  }
0x4c: {  	_ =	swait.ge [sflag:s20], $0x4000  }
.Ltmp6:
0x4d: {  	[sflag:s20] =	ssyncset.done $0x0;
	(pc) =	sbr.rel @p0 .LBB2_4-.Ltmp6, $4  }
0x4e: {  	s26 =	sadd.s32 $0x80, s24;
	[sflag:s20] =	ssyncadd.s32 $0xFFFFC000  }
0x4f: {  	[spmem:s3] =	stream.indirect.scatter.add.f32 [tilespmem:s19], [sflag:$0x3], $0x80, s26, s16, $0xb8;
	[tilespmem:$0x1F800] =	vst v63  }
0x50: {  	_ =	swait.ge [sflag:s15], $0x4000  }
0x51: {  	[sflag:s15] =	ssyncset.done $0x0  }
.Ltmp7:
0x52: {  	_ = 	snop;
	(pc) =	sbr.rel .LBB2_5-.Ltmp7, $1  }
0x53: {  	_ =	sdelay $0x3  }
.LBB2_8:
0x54: {  	_ =	sfence.sel $0x180000  }
0x55: {  	[bflag:$0x0] =	sbarrier.arrive $0xFFFF  }
0x56: {  	p0 =	sne.s32 s1, $0x0;
	_ =	strace $0x90000050  }
0x57: {  	s0 =	sadd.s32 @!p0 $0x100000, s0;
	[bflag:$0x2] =	sbarrier.arrive $0xFFFF  }
0x58: {  	[sflag:s0] =	ssyncadd.tile.s32 @!p0 $0x1;
	_ =	shalt  }
.Lfunc_end2:
_tile_overlayer_lowered:
.L_overlay_start_2:
0x59: {  	(tag) =	ssettag $0x2  }
0x5a: {  	s0 =	rddreg [dreg:$0x0];
	s2 =	stileid.u32  }
0x5b: {  	s1 =	rddreg [dreg:$0x1];
	p0 =	sne.s32 s2, $0x0  }
0x5c: {  	s3 =	rddreg [dreg:$0x2];
	[bflag:$0x3] =	sbarrier.arrive $0xFFFF;
	s2 =	simm.s32 @!p0 $0x1C03  }
0x5d: {  	[timem:s3], [sflag:s2] =	dma.local @!p0 [hbm:s0], s1  }
0x5e: {  	s0 =	simm.s32 @!p0 $0x3  }
0x5f: {  	_ =	swait.ge @!p0 [sflag:s0], s1  }
0x60: {  	s1 =	ssub.s32 @!p0 $0x0, s1;
	[sflag:s0] =	ssyncset.done @!p0 $0x0  }
0x61: {  	[sflag:s0] =	ssyncadd.s32 @!p0 s1  }
0x62: {  	[bflag:$0x3] =	sbarrier.arrive $0xFFFF  }
0x63: {  	_ =	shalt  }

</sc_bundles>
